<compile_context>
chip_gen: v7x
topology: tpu7x:2x2x1
jax: 0.10.2.dev20260603
libtpu: 0.0.44.dev20260713+nightly
codegen_flags: <defaults>
</compile_context>

<pallas_src>
import jax
import jax.numpy as jnp
from jax import lax
from jax.experimental import pallas as pl
from jax.experimental.pallas import tpu as pltpu
from jax.experimental.pallas import tpu_sc as plsc

_NC = 2
_NS = 16
_NW = _NC * _NS

_B = 16384
_D = 64
_ROWS_PER_TILE = _D // _NW
_V = 100001
_OUT_CHUNK = 4096


def _embed_body(idx_hbm, tab_hbm, out_hbm, idx_v, row_v, stage_v, sem, isem):
    wid = lax.axis_index("s") * _NC + lax.axis_index("c")
    idx_cp = pltpu.async_copy(idx_hbm, idx_v, isem)
    zeros16 = jnp.zeros((16,), jnp.int32)
    pending = [None, None]
    for p in range(_ROWS_PER_TILE):
        d = wid + _NW * p
        pltpu.sync_copy(tab_hbm.at[pl.ds(d, 1)], row_v)
        if p == 0:
            idx_cp.wait()
        for h in range(_B // _OUT_CHUNK):
            b = (p * (_B // _OUT_CHUNK) + h) % 2
            if pending[b] is not None:
                pending[b].wait()

            @plsc.parallel_loop(0, _OUT_CHUNK // 16, unroll=8)
            def step(i, _h=h, _b=b):
                idx16 = idx_v[pl.ds(_h * _OUT_CHUNK + i * 16, 16)]
                vals = plsc.load_gather(row_v, [zeros16, idx16])
                stage_v[pl.ds(_b * _OUT_CHUNK + i * 16, 16)] = vals

            pending[b] = pltpu.async_copy(
                stage_v.at[pl.ds(b * _OUT_CHUNK, _OUT_CHUNK)],
                out_hbm.at[d, pl.ds(h * _OUT_CHUNK, _OUT_CHUNK)],
                sem,
            )
    for c in pending:
        if c is not None:
            c.wait()


@jax.jit
def _embed(idx, tab_t):
    run = pl.kernel(
        _embed_body,
        out_type=jax.ShapeDtypeStruct((_D, _B), jnp.float32),
        mesh=plsc.VectorSubcoreMesh(
            core_axis_name="c", subcore_axis_name="s",
            num_cores=_NC, num_subcores=_NS,
        ),
        scratch_types=[
            pltpu.VMEM((_B,), jnp.int32),
            pltpu.VMEM((1, _V), jnp.float32),
            pltpu.VMEM((2 * _OUT_CHUNK,), jnp.float32),
            pltpu.SemaphoreType.DMA,
            pltpu.SemaphoreType.DMA,
        ],
        compiler_params=pltpu.CompilerParams(needs_layout_passes=False),
    )
    return run(idx, tab_t)


def kernel(x, table):
    out_t = _embed(x.astype(jnp.int32), table.T)
    return out_t.T

# --- scband reference (transcript-rebuilt; emitter-appended) ---
"""Pipeline reference for scband-class-embedder-22058952032606 (READ-ONLY COPY).

The authoritative reference and input builder live on the scoring server;
editing this copy changes nothing except your own understanding.
"""

import jax, jax.numpy as jnp
import numpy as np

N_CLASSES = 100000
EMBED_DIM = 64
BATCH = 16384

def setup_inputs(seed: int = 0) -> dict:
    key = jax.random.key(seed)
    k1, k2 = jax.random.split(key)
    x = jax.random.randint(k1, (BATCH,), 0, N_CLASSES, dtype=jnp.int64 if jax.config.jax_enable_x64 else jnp.int32)
    # Embedding table has n_classes + 1 rows (extra row for unconditional class)
    table = jax.random.normal(k2, (N_CLASSES + 1, EMBED_DIM), dtype=jnp.float32)
    return {"x": x, "table": table}

def reference(x, table):
    # Eval mode: cond_drop_rate mask is only applied during training,
    # so forward reduces to a plain embedding lookup.
    c = jnp.take(table, x, axis=0)
    return c

if __name__ == "__main__":
    import jax
    _d = setup_inputs()
    print(jax.jit(kernel)(*tuple(_d.values())))

</pallas_src>

<mosaic_0001>
#map = affine_map<(d0, d1) -> (0)>
#map1 = affine_map<(d0, d1) -> (0, 0)>
module attributes {stable_mosaic.version = 14 : i64} {
  func.func @_embed_body(%arg0: i32, %arg1: i32, %arg2: memref<16384xi32, #tpu.memory_space<hbm>>, %arg3: memref<64x100001xf32, #tpu.memory_space<hbm>>, %arg4: memref<64x16384xf32, #tpu.memory_space<hbm>>, %arg5: memref<16384xi32, #tpu.memory_space<vmem>>, %arg6: memref<1x100001xf32, #tpu.memory_space<vmem>>, %arg7: memref<8192xf32, #tpu.memory_space<vmem>>, %arg8: memref<!tpu.dma_semaphore, #tpu.memory_space<semaphore_mem>>, %arg9: memref<!tpu.dma_semaphore, #tpu.memory_space<semaphore_mem>>) attributes {dimension_semantics = [#tpu.dimension_semantics<core_parallel>, #tpu.dimension_semantics<subcore_parallel>], iteration_bounds = array<i64: 2, 16>, scalar_prefetch = 0 : i64, scratch_operands = 5 : i64, tpu.core_type = #tpu.core_type<sc_vector_subcore>, window_params = [{transform_indices = #map}, {transform_indices = #map1}, {transform_indices = #map1}]} {
    %mul3A = arith.constant 2 : i32
    %mul3A_0 = arith.muli %arg1, %mul3A : i32
    %add3A = arith.addi %mul3A_0, %arg0 : i32
    tpu.enqueue_dma source(%arg2 : memref<16384xi32, #tpu.memory_space<hbm>>) target(%arg5 : memref<16384xi32, #tpu.memory_space<vmem>>) target_semaphore(%arg9 : memref<!tpu.dma_semaphore, #tpu.memory_space<semaphore_mem>>)
    %broadcast_in_dim3A = arith.constant 0 : i32
    %broadcast_in_dim3A_1 = vector.broadcast %broadcast_in_dim3A : i32 to vector<16xi32>
    %add3A_2 = arith.constant 0 : i32
    %add3A_3 = arith.addi %add3A, %add3A_2 : i32
    "tpu.region"() ({
      %run_scoped3A = tpu.sem_alloc : memref<!tpu.dma_semaphore, #tpu.memory_space<semaphore_mem>>
      %dma_start3A_187 = arith.constant 0 : i32
      %dma_start3A_188 = tpu.memref_slice %arg3[%add3A_3, %dma_start3A_187] : memref<64x100001xf32, #tpu.memory_space<hbm>> -> memref<1x100001xf32, #tpu.memory_space<hbm>>
      %dma_start3A_189 = arith.constant 0 : i32
      %dma_start3A_190 = tpu.memref_slice %arg3[%add3A_3, %dma_start3A_189] : memref<64x100001xf32, #tpu.memory_space<hbm>> -> memref<1x100001xf32, #tpu.memory_space<hbm>>
      tpu.enqueue_dma source(%dma_start3A_190 : memref<1x100001xf32, #tpu.memory_space<hbm>>) target(%arg6 : memref<1x100001xf32, #tpu.memory_space<vmem>>) target_semaphore(%run_scoped3A : memref<!tpu.dma_semaphore, #tpu.memory_space<semaphore_mem>>)
      %dma_wait3A_191 = arith.constant 0 : i32
      %dma_wait3A_192 = tpu.memref_slice %arg3[%add3A_3, %dma_wait3A_191] : memref<64x100001xf32, #tpu.memory_space<hbm>> -> memref<1x100001xf32, #tpu.memory_space<hbm>>
      %dma_wait3A_193 = arith.constant 0 : i32
      %dma_wait3A_194 = tpu.memref_slice %arg3[%add3A_3, %dma_wait3A_193] : memref<64x100001xf32, #tpu.memory_space<hbm>> -> memref<1x100001xf32, #tpu.memory_space<hbm>>
      tpu.wait_dma2 semaphore(%run_scoped3A : memref<!tpu.dma_semaphore, #tpu.memory_space<semaphore_mem>>) src(%dma_wait3A_194 : memref<1x100001xf32, #tpu.memory_space<hbm>>) dst(%arg6 : memref<1x100001xf32, #tpu.memory_space<vmem>>)
      tpu.yield
    }) : () -> ()
    tpu.wait_dma2 semaphore(%arg9 : memref<!tpu.dma_semaphore, #tpu.memory_space<semaphore_mem>>) src(%arg2 : memref<16384xi32, #tpu.memory_space<hbm>>) dst(%arg5 : memref<16384xi32, #tpu.memory_space<vmem>>)
    %parallel_loop3A = arith.constant 0 : i32
    %parallel_loop3A_4 = arith.constant 256 : i32
    %parallel_loop3A_5 = arith.constant 1 : i32
    scf.for %parallel_loop3A_187 = %parallel_loop3A to %parallel_loop3A_4 step %parallel_loop3A_5  : i32 {
      %parallel_loop3A_188 = arith.constant 16 : i32
      %parallel_loop3A_189 = arith.muli %parallel_loop3A_187, %parallel_loop3A_188 : i32
      %parallel_loop3A_190 = arith.constant 0 : i32
      %parallel_loop3A_191 = arith.addi %parallel_loop3A_190, %parallel_loop3A_189 : i32
      %parallel_loop3A_192 = arith.index_cast %parallel_loop3A_191 : i32 to index
      %parallel_loop3A_193 = tpu.vector_load %arg5[%parallel_loop3A_192] {strides = array<i32>} : memref<16384xi32, #tpu.memory_space<vmem>>, vector<16xi32>,
      %parallel_loop3A_194 = tpu.vector_load_idx %arg6[%broadcast_in_dim3A_1, %parallel_loop3A_193] : memref<1x100001xf32, #tpu.memory_space<vmem>>[vector<16xi32>, vector<16xi32>], vector<16xf32>,
      %parallel_loop3A_195 = arith.constant 16 : i32
      %parallel_loop3A_196 = arith.muli %parallel_loop3A_187, %parallel_loop3A_195 : i32
      %parallel_loop3A_197 = arith.constant 0 : i32
      %parallel_loop3A_198 = arith.addi %parallel_loop3A_197, %parallel_loop3A_196 : i32
      %parallel_loop3A_199 = arith.index_cast %parallel_loop3A_198 : i32 to index
      %parallel_loop3A_200 = tpu.vector_load %arg7[%parallel_loop3A_199] {strides = array<i32>} : memref<8192xf32, #tpu.memory_space<vmem>>, vector<16xf32>,
      tpu.vector_store %arg7[%parallel_loop3A_199], %parallel_loop3A_194 {strides = array<i32>} : memref<8192xf32, #tpu.memory_space<vmem>>, vector<16xf32>,
    } {sc.loop_unroll_factor = 8 : i64, sc.parallel_access}
    %dma_start3A = arith.constant 0 : i32
    %dma_start3A_6 = tpu.memref_slice %arg7[%dma_start3A] : memref<8192xf32, #tpu.memory_space<vmem>> -> memref<4096xf32, #tpu.memory_space<vmem>>
    %dma_start3A_7 = arith.constant 0 : i32
    %dma_start3A_8 = tpu.memref_slice %arg4[%add3A_3, %dma_start3A_7] : memref<64x16384xf32, #tpu.memory_space<hbm>> -> memref<1x4096xf32, #tpu.memory_space<hbm>>
    %dma_start3A_9 = tpu.memref_squeeze %dma_start3A_8 : memref<1x4096xf32, #tpu.memory_space<hbm>> -> memref<4096xf32, #tpu.memory_space<hbm>>
    %dma_start3A_10 = arith.constant 0 : i32
    %dma_start3A_11 = tpu.memref_slice %arg4[%add3A_3, %dma_start3A_10] : memref<64x16384xf32, #tpu.memory_space<hbm>> -> memref<1x4096xf32, #tpu.memory_space<hbm>>
    %dma_start3A_12 = tpu.memref_squeeze %dma_start3A_11 : memref<1x4096xf32, #tpu.memory_space<hbm>> -> memref<4096xf32, #tpu.memory_space<hbm>>
    %dma_start3A_13 = arith.constant 0 : i32
    %dma_start3A_14 = tpu.memref_slice %arg7[%dma_start3A_13] : memref<8192xf32, #tpu.memory_space<vmem>> -> memref<4096xf32, #tpu.memory_space<vmem>>
    tpu.enqueue_dma source(%dma_start3A_14 : memref<4096xf32, #tpu.memory_space<vmem>>) target(%dma_start3A_12 : memref<4096xf32, #tpu.memory_space<hbm>>) target_semaphore(%arg8 : memref<!tpu.dma_semaphore, #tpu.memory_space<semaphore_mem>>)
    %parallel_loop3A_15 = arith.constant 0 : i32
    %parallel_loop3A_16 = arith.constant 256 : i32
    %parallel_loop3A_17 = arith.constant 1 : i32
    scf.for %parallel_loop3A_187 = %parallel_loop3A_15 to %parallel_loop3A_16 step %parallel_loop3A_17  : i32 {
      %parallel_loop3A_188 = arith.constant 16 : i32
      %parallel_loop3A_189 = arith.muli %parallel_loop3A_187, %parallel_loop3A_188 : i32
      %parallel_loop3A_190 = arith.constant 4096 : i32
      %parallel_loop3A_191 = arith.addi %parallel_loop3A_190, %parallel_loop3A_189 : i32
      %parallel_loop3A_192 = arith.index_cast %parallel_loop3A_191 : i32 to index
      %parallel_loop3A_193 = tpu.vector_load %arg5[%parallel_loop3A_192] {strides = array<i32>} : memref<16384xi32, #tpu.memory_space<vmem>>, vector<16xi32>,
      %parallel_loop3A_194 = tpu.vector_load_idx %arg6[%broadcast_in_dim3A_1, %parallel_loop3A_193] : memref<1x100001xf32, #tpu.memory_space<vmem>>[vector<16xi32>, vector<16xi32>], vector<16xf32>,
      %parallel_loop3A_195 = arith.constant 16 : i32
      %parallel_loop3A_196 = arith.muli %parallel_loop3A_187, %parallel_loop3A_195 : i32
      %parallel_loop3A_197 = arith.constant 4096 : i32
      %parallel_loop3A_198 = arith.addi %parallel_loop3A_197, %parallel_loop3A_196 : i32
      %parallel_loop3A_199 = arith.index_cast %parallel_loop3A_198 : i32 to index
      %parallel_loop3A_200 = tpu.vector_load %arg7[%parallel_loop3A_199] {strides = array<i32>} : memref<8192xf32, #tpu.memory_space<vmem>>, vector<16xf32>,
      tpu.vector_store %arg7[%parallel_loop3A_199], %parallel_loop3A_194 {strides = array<i32>} : memref<8192xf32, #tpu.memory_space<vmem>>, vector<16xf32>,
    } {sc.loop_unroll_factor = 8 : i64, sc.parallel_access}
    %dma_start3A_18 = arith.constant 4096 : i32
    %dma_start3A_19 = tpu.memref_slice %arg7[%dma_start3A_18] : memref<8192xf32, #tpu.memory_space<vmem>> -> memref<4096xf32, #tpu.memory_space<vmem>>
    %dma_start3A_20 = arith.constant 4096 : i32
    %dma_start3A_21 = tpu.memref_slice %arg4[%add3A_3, %dma_start3A_20] : memref<64x16384xf32, #tpu.memory_space<hbm>> -> memref<1x4096xf32, #tpu.memory_space<hbm>>
    %dma_start3A_22 = tpu.memref_squeeze %dma_start3A_21 : memref<1x4096xf32, #tpu.memory_space<hbm>> -> memref<4096xf32, #tpu.memory_space<hbm>>
    %dma_start3A_23 = arith.constant 4096 : i32
    %dma_start3A_24 = tpu.memref_slice %arg4[%add3A_3, %dma_start3A_23] : memref<64x16384xf32, #tpu.memory_space<hbm>> -> memref<1x4096xf32, #tpu.memory_space<hbm>>
    %dma_start3A_25 = tpu.memref_squeeze %dma_start3A_24 : memref<1x4096xf32, #tpu.memory_space<hbm>> -> memref<4096xf32, #tpu.memory_space<hbm>>
    %dma_start3A_26 = arith.constant 4096 : i32
    %dma_start3A_27 = tpu.memref_slice %arg7[%dma_start3A_26] : memref<8192xf32, #tpu.memory_space<vmem>> -> memref<4096xf32, #tpu.memory_space<vmem>>
    tpu.enqueue_dma source(%dma_start3A_27 : memref<4096xf32, #tpu.memory_space<vmem>>) target(%dma_start3A_25 : memref<4096xf32, #tpu.memory_space<hbm>>) target_semaphore(%arg8 : memref<!tpu.dma_semaphore, #tpu.memory_space<semaphore_mem>>)
    %dma_wait3A = arith.constant 0 : i32
    %dma_wait3A_28 = tpu.memref_slice %arg7[%dma_wait3A] : memref<8192xf32, #tpu.memory_space<vmem>> -> memref<4096xf32, #tpu.memory_space<vmem>>
    %dma_wait3A_29 = arith.constant 0 : i32
    %dma_wait3A_30 = tpu.memref_slice %arg4[%add3A_3, %dma_wait3A_29] : memref<64x16384xf32, #tpu.memory_space<hbm>> -> memref<1x4096xf32, #tpu.memory_space<hbm>>
    %dma_wait3A_31 = tpu.memref_squeeze %dma_wait3A_30 : memref<1x4096xf32, #tpu.memory_space<hbm>> -> memref<4096xf32, #tpu.memory_space<hbm>>
    %dma_wait3A_32 = arith.constant 0 : i32
    %dma_wait3A_33 = tpu.memref_slice %arg4[%add3A_3, %dma_wait3A_32] : memref<64x16384xf32, #tpu.memory_space<hbm>> -> memref<1x4096xf32, #tpu.memory_space<hbm>>
    %dma_wait3A_34 = tpu.memref_squeeze %dma_wait3A_33 : memref<1x4096xf32, #tpu.memory_space<hbm>> -> memref<4096xf32, #tpu.memory_space<hbm>>
    %dma_wait3A_35 = arith.constant 0 : i32
    %dma_wait3A_36 = tpu.memref_slice %arg7[%dma_wait3A_35] : memref<8192xf32, #tpu.memory_space<vmem>> -> memref<4096xf32, #tpu.memory_space<vmem>>
    tpu.wait_dma2 semaphore(%arg8 : memref<!tpu.dma_semaphore, #tpu.memory_space<semaphore_mem>>) src(%dma_wait3A_36 : memref<4096xf32, #tpu.memory_space<vmem>>) dst(%dma_wait3A_34 : memref<4096xf32, #tpu.memory_space<hbm>>)
    %parallel_loop3A_37 = arith.constant 0 : i32
    %parallel_loop3A_38 = arith.constant 256 : i32
    %parallel_loop3A_39 = arith.constant 1 : i32
    scf.for %parallel_loop3A_187 = %parallel_loop3A_37 to %parallel_loop3A_38 step %parallel_loop3A_39  : i32 {
      %parallel_loop3A_188 = arith.constant 16 : i32
      %parallel_loop3A_189 = arith.muli %parallel_loop3A_187, %parallel_loop3A_188 : i32
      %parallel_loop3A_190 = arith.constant 8192 : i32
      %parallel_loop3A_191 = arith.addi %parallel_loop3A_190, %parallel_loop3A_189 : i32
      %parallel_loop3A_192 = arith.index_cast %parallel_loop3A_191 : i32 to index
      %parallel_loop3A_193 = tpu.vector_load %arg5[%parallel_loop3A_192] {strides = array<i32>} : memref<16384xi32, #tpu.memory_space<vmem>>, vector<16xi32>,
      %parallel_loop3A_194 = tpu.vector_load_idx %arg6[%broadcast_in_dim3A_1, %parallel_loop3A_193] : memref<1x100001xf32, #tpu.memory_space<vmem>>[vector<16xi32>, vector<16xi32>], vector<16xf32>,
      %parallel_loop3A_195 = arith.constant 16 : i32
      %parallel_loop3A_196 = arith.muli %parallel_loop3A_187, %parallel_loop3A_195 : i32
      %parallel_loop3A_197 = arith.constant 0 : i32
      %parallel_loop3A_198 = arith.addi %parallel_loop3A_197, %parallel_loop3A_196 : i32
      %parallel_loop3A_199 = arith.index_cast %parallel_loop3A_198 : i32 to index
      %parallel_loop3A_200 = tpu.vector_load %arg7[%parallel_loop3A_199] {strides = array<i32>} : memref<8192xf32, #tpu.memory_space<vmem>>, vector<16xf32>,
      tpu.vector_store %arg7[%parallel_loop3A_199], %parallel_loop3A_194 {strides = array<i32>} : memref<8192xf32, #tpu.memory_space<vmem>>, vector<16xf32>,
    } {sc.loop_unroll_factor = 8 : i64, sc.parallel_access}
    %dma_start3A_40 = arith.constant 0 : i32
    %dma_start3A_41 = tpu.memref_slice %arg7[%dma_start3A_40] : memref<8192xf32, #tpu.memory_space<vmem>> -> memref<4096xf32, #tpu.memory_space<vmem>>
    %dma_start3A_42 = arith.constant 8192 : i32
    %dma_start3A_43 = tpu.memref_slice %arg4[%add3A_3, %dma_start3A_42] : memref<64x16384xf32, #tpu.memory_space<hbm>> -> memref<1x4096xf32, #tpu.memory_space<hbm>>
    %dma_start3A_44 = tpu.memref_squeeze %dma_start3A_43 : memref<1x4096xf32, #tpu.memory_space<hbm>> -> memref<4096xf32, #tpu.memory_space<hbm>>
    %dma_start3A_45 = arith.constant 8192 : i32
    %dma_start3A_46 = tpu.memref_slice %arg4[%add3A_3, %dma_start3A_45] : memref<64x16384xf32, #tpu.memory_space<hbm>> -> memref<1x4096xf32, #tpu.memory_space<hbm>>
    %dma_start3A_47 = tpu.memref_squeeze %dma_start3A_46 : memref<1x4096xf32, #tpu.memory_space<hbm>> -> memref<4096xf32, #tpu.memory_space<hbm>>
    %dma_start3A_48 = arith.constant 0 : i32
    %dma_start3A_49 = tpu.memref_slice %arg7[%dma_start3A_48] : memref<8192xf32, #tpu.memory_space<vmem>> -> memref<4096xf32, #tpu.memory_space<vmem>>
    tpu.enqueue_dma source(%dma_start3A_49 : memref<4096xf32, #tpu.memory_space<vmem>>) target(%dma_start3A_47 : memref<4096xf32, #tpu.memory_space<hbm>>) target_semaphore(%arg8 : memref<!tpu.dma_semaphore, #tpu.memory_space<semaphore_mem>>)
    %dma_wait3A_50 = arith.constant 4096 : i32
    %dma_wait3A_51 = tpu.memref_slice %arg7[%dma_wait3A_50] : memref<8192xf32, #tpu.memory_space<vmem>> -> memref<4096xf32, #tpu.memory_space<vmem>>
    %dma_wait3A_52 = arith.constant 4096 : i32
    %dma_wait3A_53 = tpu.memref_slice %arg4[%add3A_3, %dma_wait3A_52] : memref<64x16384xf32, #tpu.memory_space<hbm>> -> memref<1x4096xf32, #tpu.memory_space<hbm>>
    %dma_wait3A_54 = tpu.memref_squeeze %dma_wait3A_53 : memref<1x4096xf32, #tpu.memory_space<hbm>> -> memref<4096xf32, #tpu.memory_space<hbm>>
    %dma_wait3A_55 = arith.constant 4096 : i32
    %dma_wait3A_56 = tpu.memref_slice %arg4[%add3A_3, %dma_wait3A_55] : memref<64x16384xf32, #tpu.memory_space<hbm>> -> memref<1x4096xf32, #tpu.memory_space<hbm>>
    %dma_wait3A_57 = tpu.memref_squeeze %dma_wait3A_56 : memref<1x4096xf32, #tpu.memory_space<hbm>> -> memref<4096xf32, #tpu.memory_space<hbm>>
    %dma_wait3A_58 = arith.constant 4096 : i32
    %dma_wait3A_59 = tpu.memref_slice %arg7[%dma_wait3A_58] : memref<8192xf32, #tpu.memory_space<vmem>> -> memref<4096xf32, #tpu.memory_space<vmem>>
    tpu.wait_dma2 semaphore(%arg8 : memref<!tpu.dma_semaphore, #tpu.memory_space<semaphore_mem>>) src(%dma_wait3A_59 : memref<4096xf32, #tpu.memory_space<vmem>>) dst(%dma_wait3A_57 : memref<4096xf32, #tpu.memory_space<hbm>>)
    %parallel_loop3A_60 = arith.constant 0 : i32
    %parallel_loop3A_61 = arith.constant 256 : i32
    %parallel_loop3A_62 = arith.constant 1 : i32
    scf.for %parallel_loop3A_187 = %parallel_loop3A_60 to %parallel_loop3A_61 step %parallel_loop3A_62  : i32 {
      %parallel_loop3A_188 = arith.constant 16 : i32
      %parallel_loop3A_189 = arith.muli %parallel_loop3A_187, %parallel_loop3A_188 : i32
      %parallel_loop3A_190 = arith.constant 12288 : i32
      %parallel_loop3A_191 = arith.addi %parallel_loop3A_190, %parallel_loop3A_189 : i32
      %parallel_loop3A_192 = arith.index_cast %parallel_loop3A_191 : i32 to index
      %parallel_loop3A_193 = tpu.vector_load %arg5[%parallel_loop3A_192] {strides = array<i32>} : memref<16384xi32, #tpu.memory_space<vmem>>, vector<16xi32>,
      %parallel_loop3A_194 = tpu.vector_load_idx %arg6[%broadcast_in_dim3A_1, %parallel_loop3A_193] : memref<1x100001xf32, #tpu.memory_space<vmem>>[vector<16xi32>, vector<16xi32>], vector<16xf32>,
      %parallel_loop3A_195 = arith.constant 16 : i32
      %parallel_loop3A_196 = arith.muli %parallel_loop3A_187, %parallel_loop3A_195 : i32
      %parallel_loop3A_197 = arith.constant 4096 : i32
      %parallel_loop3A_198 = arith.addi %parallel_loop3A_197, %parallel_loop3A_196 : i32
      %parallel_loop3A_199 = arith.index_cast %parallel_loop3A_198 : i32 to index
      %parallel_loop3A_200 = tpu.vector_load %arg7[%parallel_loop3A_199] {strides = array<i32>} : memref<8192xf32, #tpu.memory_space<vmem>>, vector<16xf32>,
      tpu.vector_store %arg7[%parallel_loop3A_199], %parallel_loop3A_194 {strides = array<i32>} : memref<8192xf32, #tpu.memory_space<vmem>>, vector<16xf32>,
    } {sc.loop_unroll_factor = 8 : i64, sc.parallel_access}
    %dma_start3A_63 = arith.constant 4096 : i32
    %dma_start3A_64 = tpu.memref_slice %arg7[%dma_start3A_63] : memref<8192xf32, #tpu.memory_space<vmem>> -> memref<4096xf32, #tpu.memory_space<vmem>>
    %dma_start3A_65 = arith.constant 12288 : i32
    %dma_start3A_66 = tpu.memref_slice %arg4[%add3A_3, %dma_start3A_65] : memref<64x16384xf32, #tpu.memory_space<hbm>> -> memref<1x4096xf32, #tpu.memory_space<hbm>>
    %dma_start3A_67 = tpu.memref_squeeze %dma_start3A_66 : memref<1x4096xf32, #tpu.memory_space<hbm>> -> memref<4096xf32, #tpu.memory_space<hbm>>
    %dma_start3A_68 = arith.constant 12288 : i32
    %dma_start3A_69 = tpu.memref_slice %arg4[%add3A_3, %dma_start3A_68] : memref<64x16384xf32, #tpu.memory_space<hbm>> -> memref<1x4096xf32, #tpu.memory_space<hbm>>
    %dma_start3A_70 = tpu.memref_squeeze %dma_start3A_69 : memref<1x4096xf32, #tpu.memory_space<hbm>> -> memref<4096xf32, #tpu.memory_space<hbm>>
    %dma_start3A_71 = arith.constant 4096 : i32
    %dma_start3A_72 = tpu.memref_slice %arg7[%dma_start3A_71] : memref<8192xf32, #tpu.memory_space<vmem>> -> memref<4096xf32, #tpu.memory_space<vmem>>
    tpu.enqueue_dma source(%dma_start3A_72 : memref<4096xf32, #tpu.memory_space<vmem>>) target(%dma_start3A_70 : memref<4096xf32, #tpu.memory_space<hbm>>) target_semaphore(%arg8 : memref<!tpu.dma_semaphore, #tpu.memory_space<semaphore_mem>>)
    %add3A_73 = arith.constant 32 : i32
    %add3A_74 = arith.addi %add3A, %add3A_73 : i32
    "tpu.region"() ({
      %run_scoped3A = tpu.sem_alloc : memref<!tpu.dma_semaphore, #tpu.memory_space<semaphore_mem>>
      %dma_start3A_187 = arith.constant 0 : i32
      %dma_start3A_188 = tpu.memref_slice %arg3[%add3A_74, %dma_start3A_187] : memref<64x100001xf32, #tpu.memory_space<hbm>> -> memref<1x100001xf32, #tpu.memory_space<hbm>>
      %dma_start3A_189 = arith.constant 0 : i32
      %dma_start3A_190 = tpu.memref_slice %arg3[%add3A_74, %dma_start3A_189] : memref<64x100001xf32, #tpu.memory_space<hbm>> -> memref<1x100001xf32, #tpu.memory_space<hbm>>
      tpu.enqueue_dma source(%dma_start3A_190 : memref<1x100001xf32, #tpu.memory_space<hbm>>) target(%arg6 : memref<1x100001xf32, #tpu.memory_space<vmem>>) target_semaphore(%run_scoped3A : memref<!tpu.dma_semaphore, #tpu.memory_space<semaphore_mem>>)
      %dma_wait3A_191 = arith.constant 0 : i32
      %dma_wait3A_192 = tpu.memref_slice %arg3[%add3A_74, %dma_wait3A_191] : memref<64x100001xf32, #tpu.memory_space<hbm>> -> memref<1x100001xf32, #tpu.memory_space<hbm>>
      %dma_wait3A_193 = arith.constant 0 : i32
      %dma_wait3A_194 = tpu.memref_slice %arg3[%add3A_74, %dma_wait3A_193] : memref<64x100001xf32, #tpu.memory_space<hbm>> -> memref<1x100001xf32, #tpu.memory_space<hbm>>
      tpu.wait_dma2 semaphore(%run_scoped3A : memref<!tpu.dma_semaphore, #tpu.memory_space<semaphore_mem>>) src(%dma_wait3A_194 : memref<1x100001xf32, #tpu.memory_space<hbm>>) dst(%arg6 : memref<1x100001xf32, #tpu.memory_space<vmem>>)
      tpu.yield
    }) : () -> ()
    %dma_wait3A_75 = arith.constant 0 : i32
    %dma_wait3A_76 = tpu.memref_slice %arg7[%dma_wait3A_75] : memref<8192xf32, #tpu.memory_space<vmem>> -> memref<4096xf32, #tpu.memory_space<vmem>>
    %dma_wait3A_77 = arith.constant 8192 : i32
    %dma_wait3A_78 = tpu.memref_slice %arg4[%add3A_3, %dma_wait3A_77] : memref<64x16384xf32, #tpu.memory_space<hbm>> -> memref<1x4096xf32, #tpu.memory_space<hbm>>
    %dma_wait3A_79 = tpu.memref_squeeze %dma_wait3A_78 : memref<1x4096xf32, #tpu.memory_space<hbm>> -> memref<4096xf32, #tpu.memory_space<hbm>>
    %dma_wait3A_80 = arith.constant 8192 : i32
    %dma_wait3A_81 = tpu.memref_slice %arg4[%add3A_3, %dma_wait3A_80] : memref<64x16384xf32, #tpu.memory_space<hbm>> -> memref<1x4096xf32, #tpu.memory_space<hbm>>
    %dma_wait3A_82 = tpu.memref_squeeze %dma_wait3A_81 : memref<1x4096xf32, #tpu.memory_space<hbm>> -> memref<4096xf32, #tpu.memory_space<hbm>>
    %dma_wait3A_83 = arith.constant 0 : i32
    %dma_wait3A_84 = tpu.memref_slice %arg7[%dma_wait3A_83] : memref<8192xf32, #tpu.memory_space<vmem>> -> memref<4096xf32, #tpu.memory_space<vmem>>
    tpu.wait_dma2 semaphore(%arg8 : memref<!tpu.dma_semaphore, #tpu.memory_space<semaphore_mem>>) src(%dma_wait3A_84 : memref<4096xf32, #tpu.memory_space<vmem>>) dst(%dma_wait3A_82 : memref<4096xf32, #tpu.memory_space<hbm>>)
    %parallel_loop3A_85 = arith.constant 0 : i32
    %parallel_loop3A_86 = arith.constant 256 : i32
    %parallel_loop3A_87 = arith.constant 1 : i32
    scf.for %parallel_loop3A_187 = %parallel_loop3A_85 to %parallel_loop3A_86 step %parallel_loop3A_87  : i32 {
      %parallel_loop3A_188 = arith.constant 16 : i32
      %parallel_loop3A_189 = arith.muli %parallel_loop3A_187, %parallel_loop3A_188 : i32
      %parallel_loop3A_190 = arith.constant 0 : i32
      %parallel_loop3A_191 = arith.addi %parallel_loop3A_190, %parallel_loop3A_189 : i32
      %parallel_loop3A_192 = arith.index_cast %parallel_loop3A_191 : i32 to index
      %parallel_loop3A_193 = tpu.vector_load %arg5[%parallel_loop3A_192] {strides = array<i32>} : memref<16384xi32, #tpu.memory_space<vmem>>, vector<16xi32>,
      %parallel_loop3A_194 = tpu.vector_load_idx %arg6[%broadcast_in_dim3A_1, %parallel_loop3A_193] : memref<1x100001xf32, #tpu.memory_space<vmem>>[vector<16xi32>, vector<16xi32>], vector<16xf32>,
      %parallel_loop3A_195 = arith.constant 16 : i32
      %parallel_loop3A_196 = arith.muli %parallel_loop3A_187, %parallel_loop3A_195 : i32
      %parallel_loop3A_197 = arith.constant 0 : i32
      %parallel_loop3A_198 = arith.addi %parallel_loop3A_197, %parallel_loop3A_196 : i32
      %parallel_loop3A_199 = arith.index_cast %parallel_loop3A_198 : i32 to index
      %parallel_loop3A_200 = tpu.vector_load %arg7[%parallel_loop3A_199] {strides = array<i32>} : memref<8192xf32, #tpu.memory_space<vmem>>, vector<16xf32>,
      tpu.vector_store %arg7[%parallel_loop3A_199], %parallel_loop3A_194 {strides = array<i32>} : memref<8192xf32, #tpu.memory_space<vmem>>, vector<16xf32>,
    } {sc.loop_unroll_factor = 8 : i64, sc.parallel_access}
    %dma_start3A_88 = arith.constant 0 : i32
    %dma_start3A_89 = tpu.memref_slice %arg7[%dma_start3A_88] : memref<8192xf32, #tpu.memory_space<vmem>> -> memref<4096xf32, #tpu.memory_space<vmem>>
    %dma_start3A_90 = arith.constant 0 : i32
    %dma_start3A_91 = tpu.memref_slice %arg4[%add3A_74, %dma_start3A_90] : memref<64x16384xf32, #tpu.memory_space<hbm>> -> memref<1x4096xf32, #tpu.memory_space<hbm>>
    %dma_start3A_92 = tpu.memref_squeeze %dma_start3A_91 : memref<1x4096xf32, #tpu.memory_space<hbm>> -> memref<4096xf32, #tpu.memory_space<hbm>>
    %dma_start3A_93 = arith.constant 0 : i32
    %dma_start3A_94 = tpu.memref_slice %arg4[%add3A_74, %dma_start3A_93] : memref<64x16384xf32, #tpu.memory_space<hbm>> -> memref<1x4096xf32, #tpu.memory_space<hbm>>
    %dma_start3A_95 = tpu.memref_squeeze %dma_start3A_94 : memref<1x4096xf32, #tpu.memory_space<hbm>> -> memref<4096xf32, #tpu.memory_space<hbm>>
    %dma_start3A_96 = arith.constant 0 : i32
    %dma_start3A_97 = tpu.memref_slice %arg7[%dma_start3A_96] : memref<8192xf32, #tpu.memory_space<vmem>> -> memref<4096xf32, #tpu.memory_space<vmem>>
    tpu.enqueue_dma source(%dma_start3A_97 : memref<4096xf32, #tpu.memory_space<vmem>>) target(%dma_start3A_95 : memref<4096xf32, #tpu.memory_space<hbm>>) target_semaphore(%arg8 : memref<!tpu.dma_semaphore, #tpu.memory_space<semaphore_mem>>)
    %dma_wait3A_98 = arith.constant 4096 : i32
    %dma_wait3A_99 = tpu.memref_slice %arg7[%dma_wait3A_98] : memref<8192xf32, #tpu.memory_space<vmem>> -> memref<4096xf32, #tpu.memory_space<vmem>>
    %dma_wait3A_100 = arith.constant 12288 : i32
    %dma_wait3A_101 = tpu.memref_slice %arg4[%add3A_3, %dma_wait3A_100] : memref<64x16384xf32, #tpu.memory_space<hbm>> -> memref<1x4096xf32, #tpu.memory_space<hbm>>
    %dma_wait3A_102 = tpu.memref_squeeze %dma_wait3A_101 : memref<1x4096xf32, #tpu.memory_space<hbm>> -> memref<4096xf32, #tpu.memory_space<hbm>>
    %dma_wait3A_103 = arith.constant 12288 : i32
    %dma_wait3A_104 = tpu.memref_slice %arg4[%add3A_3, %dma_wait3A_103] : memref<64x16384xf32, #tpu.memory_space<hbm>> -> memref<1x4096xf32, #tpu.memory_space<hbm>>
    %dma_wait3A_105 = tpu.memref_squeeze %dma_wait3A_104 : memref<1x4096xf32, #tpu.memory_space<hbm>> -> memref<4096xf32, #tpu.memory_space<hbm>>
    %dma_wait3A_106 = arith.constant 4096 : i32
    %dma_wait3A_107 = tpu.memref_slice %arg7[%dma_wait3A_106] : memref<8192xf32, #tpu.memory_space<vmem>> -> memref<4096xf32, #tpu.memory_space<vmem>>
    tpu.wait_dma2 semaphore(%arg8 : memref<!tpu.dma_semaphore, #tpu.memory_space<semaphore_mem>>) src(%dma_wait3A_107 : memref<4096xf32, #tpu.memory_space<vmem>>) dst(%dma_wait3A_105 : memref<4096xf32, #tpu.memory_space<hbm>>)
    %parallel_loop3A_108 = arith.constant 0 : i32
    %parallel_loop3A_109 = arith.constant 256 : i32
    %parallel_loop3A_110 = arith.constant 1 : i32
    scf.for %parallel_loop3A_187 = %parallel_loop3A_108 to %parallel_loop3A_109 step %parallel_loop3A_110  : i32 {
      %parallel_loop3A_188 = arith.constant 16 : i32
      %parallel_loop3A_189 = arith.muli %parallel_loop3A_187, %parallel_loop3A_188 : i32
      %parallel_loop3A_190 = arith.constant 4096 : i32
      %parallel_loop3A_191 = arith.addi %parallel_loop3A_190, %parallel_loop3A_189 : i32
      %parallel_loop3A_192 = arith.index_cast %parallel_loop3A_191 : i32 to index
      %parallel_loop3A_193 = tpu.vector_load %arg5[%parallel_loop3A_192] {strides = array<i32>} : memref<16384xi32, #tpu.memory_space<vmem>>, vector<16xi32>,
      %parallel_loop3A_194 = tpu.vector_load_idx %arg6[%broadcast_in_dim3A_1, %parallel_loop3A_193] : memref<1x100001xf32, #tpu.memory_space<vmem>>[vector<16xi32>, vector<16xi32>], vector<16xf32>,
      %parallel_loop3A_195 = arith.constant 16 : i32
      %parallel_loop3A_196 = arith.muli %parallel_loop3A_187, %parallel_loop3A_195 : i32
      %parallel_loop3A_197 = arith.constant 4096 : i32
      %parallel_loop3A_198 = arith.addi %parallel_loop3A_197, %parallel_loop3A_196 : i32
      %parallel_loop3A_199 = arith.index_cast %parallel_loop3A_198 : i32 to index
      %parallel_loop3A_200 = tpu.vector_load %arg7[%parallel_loop3A_199] {strides = array<i32>} : memref<8192xf32, #tpu.memory_space<vmem>>, vector<16xf32>,
      tpu.vector_store %arg7[%parallel_loop3A_199], %parallel_loop3A_194 {strides = array<i32>} : memref<8192xf32, #tpu.memory_space<vmem>>, vector<16xf32>,
    } {sc.loop_unroll_factor = 8 : i64, sc.parallel_access}
    %dma_start3A_111 = arith.constant 4096 : i32
    %dma_start3A_112 = tpu.memref_slice %arg7[%dma_start3A_111] : memref<8192xf32, #tpu.memory_space<vmem>> -> memref<4096xf32, #tpu.memory_space<vmem>>
    %dma_start3A_113 = arith.constant 4096 : i32
    %dma_start3A_114 = tpu.memref_slice %arg4[%add3A_74, %dma_start3A_113] : memref<64x16384xf32, #tpu.memory_space<hbm>> -> memref<1x4096xf32, #tpu.memory_space<hbm>>
    %dma_start3A_115 = tpu.memref_squeeze %dma_start3A_114 : memref<1x4096xf32, #tpu.memory_space<hbm>> -> memref<4096xf32, #tpu.memory_space<hbm>>
    %dma_start3A_116 = arith.constant 4096 : i32
    %dma_start3A_117 = tpu.memref_slice %arg4[%add3A_74, %dma_start3A_116] : memref<64x16384xf32, #tpu.memory_space<hbm>> -> memref<1x4096xf32, #tpu.memory_space<hbm>>
    %dma_start3A_118 = tpu.memref_squeeze %dma_start3A_117 : memref<1x4096xf32, #tpu.memory_space<hbm>> -> memref<4096xf32, #tpu.memory_space<hbm>>
    %dma_start3A_119 = arith.constant 4096 : i32
    %dma_start3A_120 = tpu.memref_slice %arg7[%dma_start3A_119] : memref<8192xf32, #tpu.memory_space<vmem>> -> memref<4096xf32, #tpu.memory_space<vmem>>
    tpu.enqueue_dma source(%dma_start3A_120 : memref<4096xf32, #tpu.memory_space<vmem>>) target(%dma_start3A_118 : memref<4096xf32, #tpu.memory_space<hbm>>) target_semaphore(%arg8 : memref<!tpu.dma_semaphore, #tpu.memory_space<semaphore_mem>>)
    %dma_wait3A_121 = arith.constant 0 : i32
    %dma_wait3A_122 = tpu.memref_slice %arg7[%dma_wait3A_121] : memref<8192xf32, #tpu.memory_space<vmem>> -> memref<4096xf32, #tpu.memory_space<vmem>>
    %dma_wait3A_123 = arith.constant 0 : i32
    %dma_wait3A_124 = tpu.memref_slice %arg4[%add3A_74, %dma_wait3A_123] : memref<64x16384xf32, #tpu.memory_space<hbm>> -> memref<1x4096xf32, #tpu.memory_space<hbm>>
    %dma_wait3A_125 = tpu.memref_squeeze %dma_wait3A_124 : memref<1x4096xf32, #tpu.memory_space<hbm>> -> memref<4096xf32, #tpu.memory_space<hbm>>
    %dma_wait3A_126 = arith.constant 0 : i32
    %dma_wait3A_127 = tpu.memref_slice %arg4[%add3A_74, %dma_wait3A_126] : memref<64x16384xf32, #tpu.memory_space<hbm>> -> memref<1x4096xf32, #tpu.memory_space<hbm>>
    %dma_wait3A_128 = tpu.memref_squeeze %dma_wait3A_127 : memref<1x4096xf32, #tpu.memory_space<hbm>> -> memref<4096xf32, #tpu.memory_space<hbm>>
    %dma_wait3A_129 = arith.constant 0 : i32
    %dma_wait3A_130 = tpu.memref_slice %arg7[%dma_wait3A_129] : memref<8192xf32, #tpu.memory_space<vmem>> -> memref<4096xf32, #tpu.memory_space<vmem>>
    tpu.wait_dma2 semaphore(%arg8 : memref<!tpu.dma_semaphore, #tpu.memory_space<semaphore_mem>>) src(%dma_wait3A_130 : memref<4096xf32, #tpu.memory_space<vmem>>) dst(%dma_wait3A_128 : memref<4096xf32, #tpu.memory_space<hbm>>)
    %parallel_loop3A_131 = arith.constant 0 : i32
    %parallel_loop3A_132 = arith.constant 256 : i32
    %parallel_loop3A_133 = arith.constant 1 : i32
    scf.for %parallel_loop3A_187 = %parallel_loop3A_131 to %parallel_loop3A_132 step %parallel_loop3A_133  : i32 {
      %parallel_loop3A_188 = arith.constant 16 : i32
      %parallel_loop3A_189 = arith.muli %parallel_loop3A_187, %parallel_loop3A_188 : i32
      %parallel_loop3A_190 = arith.constant 8192 : i32
      %parallel_loop3A_191 = arith.addi %parallel_loop3A_190, %parallel_loop3A_189 : i32
      %parallel_loop3A_192 = arith.index_cast %parallel_loop3A_191 : i32 to index
      %parallel_loop3A_193 = tpu.vector_load %arg5[%parallel_loop3A_192] {strides = array<i32>} : memref<16384xi32, #tpu.memory_space<vmem>>, vector<16xi32>,
      %parallel_loop3A_194 = tpu.vector_load_idx %arg6[%broadcast_in_dim3A_1, %parallel_loop3A_193] : memref<1x100001xf32, #tpu.memory_space<vmem>>[vector<16xi32>, vector<16xi32>], vector<16xf32>,
      %parallel_loop3A_195 = arith.constant 16 : i32
      %parallel_loop3A_196 = arith.muli %parallel_loop3A_187, %parallel_loop3A_195 : i32
      %parallel_loop3A_197 = arith.constant 0 : i32
      %parallel_loop3A_198 = arith.addi %parallel_loop3A_197, %parallel_loop3A_196 : i32
      %parallel_loop3A_199 = arith.index_cast %parallel_loop3A_198 : i32 to index
      %parallel_loop3A_200 = tpu.vector_load %arg7[%parallel_loop3A_199] {strides = array<i32>} : memref<8192xf32, #tpu.memory_space<vmem>>, vector<16xf32>,
      tpu.vector_store %arg7[%parallel_loop3A_199], %parallel_loop3A_194 {strides = array<i32>} : memref<8192xf32, #tpu.memory_space<vmem>>, vector<16xf32>,
    } {sc.loop_unroll_factor = 8 : i64, sc.parallel_access}
    %dma_start3A_134 = arith.constant 0 : i32
    %dma_start3A_135 = tpu.memref_slice %arg7[%dma_start3A_134] : memref<8192xf32, #tpu.memory_space<vmem>> -> memref<4096xf32, #tpu.memory_space<vmem>>
    %dma_start3A_136 = arith.constant 8192 : i32
    %dma_start3A_137 = tpu.memref_slice %arg4[%add3A_74, %dma_start3A_136] : memref<64x16384xf32, #tpu.memory_space<hbm>> -> memref<1x4096xf32, #tpu.memory_space<hbm>>
    %dma_start3A_138 = tpu.memref_squeeze %dma_start3A_137 : memref<1x4096xf32, #tpu.memory_space<hbm>> -> memref<4096xf32, #tpu.memory_space<hbm>>
    %dma_start3A_139 = arith.constant 8192 : i32
    %dma_start3A_140 = tpu.memref_slice %arg4[%add3A_74, %dma_start3A_139] : memref<64x16384xf32, #tpu.memory_space<hbm>> -> memref<1x4096xf32, #tpu.memory_space<hbm>>
    %dma_start3A_141 = tpu.memref_squeeze %dma_start3A_140 : memref<1x4096xf32, #tpu.memory_space<hbm>> -> memref<4096xf32, #tpu.memory_space<hbm>>
    %dma_start3A_142 = arith.constant 0 : i32
    %dma_start3A_143 = tpu.memref_slice %arg7[%dma_start3A_142] : memref<8192xf32, #tpu.memory_space<vmem>> -> memref<4096xf32, #tpu.memory_space<vmem>>
    tpu.enqueue_dma source(%dma_start3A_143 : memref<4096xf32, #tpu.memory_space<vmem>>) target(%dma_start3A_141 : memref<4096xf32, #tpu.memory_space<hbm>>) target_semaphore(%arg8 : memref<!tpu.dma_semaphore, #tpu.memory_space<semaphore_mem>>)
    %dma_wait3A_144 = arith.constant 4096 : i32
    %dma_wait3A_145 = tpu.memref_slice %arg7[%dma_wait3A_144] : memref<8192xf32, #tpu.memory_space<vmem>> -> memref<4096xf32, #tpu.memory_space<vmem>>
    %dma_wait3A_146 = arith.constant 4096 : i32
    %dma_wait3A_147 = tpu.memref_slice %arg4[%add3A_74, %dma_wait3A_146] : memref<64x16384xf32, #tpu.memory_space<hbm>> -> memref<1x4096xf32, #tpu.memory_space<hbm>>
    %dma_wait3A_148 = tpu.memref_squeeze %dma_wait3A_147 : memref<1x4096xf32, #tpu.memory_space<hbm>> -> memref<4096xf32, #tpu.memory_space<hbm>>
    %dma_wait3A_149 = arith.constant 4096 : i32
    %dma_wait3A_150 = tpu.memref_slice %arg4[%add3A_74, %dma_wait3A_149] : memref<64x16384xf32, #tpu.memory_space<hbm>> -> memref<1x4096xf32, #tpu.memory_space<hbm>>
    %dma_wait3A_151 = tpu.memref_squeeze %dma_wait3A_150 : memref<1x4096xf32, #tpu.memory_space<hbm>> -> memref<4096xf32, #tpu.memory_space<hbm>>
    %dma_wait3A_152 = arith.constant 4096 : i32
    %dma_wait3A_153 = tpu.memref_slice %arg7[%dma_wait3A_152] : memref<8192xf32, #tpu.memory_space<vmem>> -> memref<4096xf32, #tpu.memory_space<vmem>>
    tpu.wait_dma2 semaphore(%arg8 : memref<!tpu.dma_semaphore, #tpu.memory_space<semaphore_mem>>) src(%dma_wait3A_153 : memref<4096xf32, #tpu.memory_space<vmem>>) dst(%dma_wait3A_151 : memref<4096xf32, #tpu.memory_space<hbm>>)
    %parallel_loop3A_154 = arith.constant 0 : i32
    %parallel_loop3A_155 = arith.constant 256 : i32
    %parallel_loop3A_156 = arith.constant 1 : i32
    scf.for %parallel_loop3A_187 = %parallel_loop3A_154 to %parallel_loop3A_155 step %parallel_loop3A_156  : i32 {
      %parallel_loop3A_188 = arith.constant 16 : i32
      %parallel_loop3A_189 = arith.muli %parallel_loop3A_187, %parallel_loop3A_188 : i32
      %parallel_loop3A_190 = arith.constant 12288 : i32
      %parallel_loop3A_191 = arith.addi %parallel_loop3A_190, %parallel_loop3A_189 : i32
      %parallel_loop3A_192 = arith.index_cast %parallel_loop3A_191 : i32 to index
      %parallel_loop3A_193 = tpu.vector_load %arg5[%parallel_loop3A_192] {strides = array<i32>} : memref<16384xi32, #tpu.memory_space<vmem>>, vector<16xi32>,
      %parallel_loop3A_194 = tpu.vector_load_idx %arg6[%broadcast_in_dim3A_1, %parallel_loop3A_193] : memref<1x100001xf32, #tpu.memory_space<vmem>>[vector<16xi32>, vector<16xi32>], vector<16xf32>,
      %parallel_loop3A_195 = arith.constant 16 : i32
      %parallel_loop3A_196 = arith.muli %parallel_loop3A_187, %parallel_loop3A_195 : i32
      %parallel_loop3A_197 = arith.constant 4096 : i32
      %parallel_loop3A_198 = arith.addi %parallel_loop3A_197, %parallel_loop3A_196 : i32
      %parallel_loop3A_199 = arith.index_cast %parallel_loop3A_198 : i32 to index
      %parallel_loop3A_200 = tpu.vector_load %arg7[%parallel_loop3A_199] {strides = array<i32>} : memref<8192xf32, #tpu.memory_space<vmem>>, vector<16xf32>,
      tpu.vector_store %arg7[%parallel_loop3A_199], %parallel_loop3A_194 {strides = array<i32>} : memref<8192xf32, #tpu.memory_space<vmem>>, vector<16xf32>,
    } {sc.loop_unroll_factor = 8 : i64, sc.parallel_access}
    %dma_start3A_157 = arith.constant 4096 : i32
    %dma_start3A_158 = tpu.memref_slice %arg7[%dma_start3A_157] : memref<8192xf32, #tpu.memory_space<vmem>> -> memref<4096xf32, #tpu.memory_space<vmem>>
    %dma_start3A_159 = arith.constant 12288 : i32
    %dma_start3A_160 = tpu.memref_slice %arg4[%add3A_74, %dma_start3A_159] : memref<64x16384xf32, #tpu.memory_space<hbm>> -> memref<1x4096xf32, #tpu.memory_space<hbm>>
    %dma_start3A_161 = tpu.memref_squeeze %dma_start3A_160 : memref<1x4096xf32, #tpu.memory_space<hbm>> -> memref<4096xf32, #tpu.memory_space<hbm>>
    %dma_start3A_162 = arith.constant 12288 : i32
    %dma_start3A_163 = tpu.memref_slice %arg4[%add3A_74, %dma_start3A_162] : memref<64x16384xf32, #tpu.memory_space<hbm>> -> memref<1x4096xf32, #tpu.memory_space<hbm>>
    %dma_start3A_164 = tpu.memref_squeeze %dma_start3A_163 : memref<1x4096xf32, #tpu.memory_space<hbm>> -> memref<4096xf32, #tpu.memory_space<hbm>>
    %dma_start3A_165 = arith.constant 4096 : i32
    %dma_start3A_166 = tpu.memref_slice %arg7[%dma_start3A_165] : memref<8192xf32, #tpu.memory_space<vmem>> -> memref<4096xf32, #tpu.memory_space<vmem>>
    tpu.enqueue_dma source(%dma_start3A_166 : memref<4096xf32, #tpu.memory_space<vmem>>) target(%dma_start3A_164 : memref<4096xf32, #tpu.memory_space<hbm>>) target_semaphore(%arg8 : memref<!tpu.dma_semaphore, #tpu.memory_space<semaphore_mem>>)
    %dma_wait3A_167 = arith.constant 0 : i32
    %dma_wait3A_168 = tpu.memref_slice %arg7[%dma_wait3A_167] : memref<8192xf32, #tpu.memory_space<vmem>> -> memref<4096xf32, #tpu.memory_space<vmem>>
    %dma_wait3A_169 = arith.constant 8192 : i32
    %dma_wait3A_170 = tpu.memref_slice %arg4[%add3A_74, %dma_wait3A_169] : memref<64x16384xf32, #tpu.memory_space<hbm>> -> memref<1x4096xf32, #tpu.memory_space<hbm>>
    %dma_wait3A_171 = tpu.memref_squeeze %dma_wait3A_170 : memref<1x4096xf32, #tpu.memory_space<hbm>> -> memref<4096xf32, #tpu.memory_space<hbm>>
    %dma_wait3A_172 = arith.constant 8192 : i32
    %dma_wait3A_173 = tpu.memref_slice %arg4[%add3A_74, %dma_wait3A_172] : memref<64x16384xf32, #tpu.memory_space<hbm>> -> memref<1x4096xf32, #tpu.memory_space<hbm>>
    %dma_wait3A_174 = tpu.memref_squeeze %dma_wait3A_173 : memref<1x4096xf32, #tpu.memory_space<hbm>> -> memref<4096xf32, #tpu.memory_space<hbm>>
    %dma_wait3A_175 = arith.constant 0 : i32
    %dma_wait3A_176 = tpu.memref_slice %arg7[%dma_wait3A_175] : memref<8192xf32, #tpu.memory_space<vmem>> -> memref<4096xf32, #tpu.memory_space<vmem>>
    tpu.wait_dma2 semaphore(%arg8 : memref<!tpu.dma_semaphore, #tpu.memory_space<semaphore_mem>>) src(%dma_wait3A_176 : memref<4096xf32, #tpu.memory_space<vmem>>) dst(%dma_wait3A_174 : memref<4096xf32, #tpu.memory_space<hbm>>)
    %dma_wait3A_177 = arith.constant 4096 : i32
    %dma_wait3A_178 = tpu.memref_slice %arg7[%dma_wait3A_177] : memref<8192xf32, #tpu.memory_space<vmem>> -> memref<4096xf32, #tpu.memory_space<vmem>>
    %dma_wait3A_179 = arith.constant 12288 : i32
    %dma_wait3A_180 = tpu.memref_slice %arg4[%add3A_74, %dma_wait3A_179] : memref<64x16384xf32, #tpu.memory_space<hbm>> -> memref<1x4096xf32, #tpu.memory_space<hbm>>
    %dma_wait3A_181 = tpu.memref_squeeze %dma_wait3A_180 : memref<1x4096xf32, #tpu.memory_space<hbm>> -> memref<4096xf32, #tpu.memory_space<hbm>>
    %dma_wait3A_182 = arith.constant 12288 : i32
    %dma_wait3A_183 = tpu.memref_slice %arg4[%add3A_74, %dma_wait3A_182] : memref<64x16384xf32, #tpu.memory_space<hbm>> -> memref<1x4096xf32, #tpu.memory_space<hbm>>
    %dma_wait3A_184 = tpu.memref_squeeze %dma_wait3A_183 : memref<1x4096xf32, #tpu.memory_space<hbm>> -> memref<4096xf32, #tpu.memory_space<hbm>>
    %dma_wait3A_185 = arith.constant 4096 : i32
    %dma_wait3A_186 = tpu.memref_slice %arg7[%dma_wait3A_185] : memref<8192xf32, #tpu.memory_space<vmem>> -> memref<4096xf32, #tpu.memory_space<vmem>>
    tpu.wait_dma2 semaphore(%arg8 : memref<!tpu.dma_semaphore, #tpu.memory_space<semaphore_mem>>) src(%dma_wait3A_186 : memref<4096xf32, #tpu.memory_space<vmem>>) dst(%dma_wait3A_184 : memref<4096xf32, #tpu.memory_space<hbm>>)
    return
  }
}

</mosaic_0001>

<sc_bundles>
// kernel: _embed.3.cloned.1.call-start
scs
__scs_entry_jumppad:
0x0: {  	(pc) =	sbr.rel $0x88, $3  }
0x1: {  	(tag) =	ssettag $0x0;
	lr =	simm.s32 $0x1  }
0x2: {  	[smem:$0x3F9F] =	sst lr;
	_ =	strace $0xD0000000  }
0x3: {  	_ = 	snop  }
0x4: {  	_ = 	snop  }
0x5: {  	_ = 	snop  }
0x6: {  	_ = 	snop  }
0x7: {  	_ = 	snop  }
__scs_overlays_trampoline_lowered:
0x8: {  	[smem:$0x3FAE] =	sst s0  }
0x9: {  	[smem:$0x3FAF] =	sst s1  }
0xa: {  	[smem:$0x3FB0] =	sst s2  }
0xb: {  	[smem:$0x3FB1] =	sst s3  }
0xc: {  	[smem:$0x3FB2] =	sst s4  }
0xd: {  	[smem:$0x3FB3] =	sst s5  }
0xe: {  	[smem:$0x3FB4] =	sst s6  }
0xf: {  	[smem:$0x3FB5] =	sst s7  }
0x10: {  	[smem:$0x3FB6] =	sst s8  }
0x11: {  	[smem:$0x3FB7] =	sst s9;
	s0 =	simm.s32 @!p0 $0x0  }
0x12: {  	s1 =	sld [smem:$0x3F9D];
	s0 =	simm.s32 @p0 $0x1  }
0x13: {  	[smem:$0x3FB8] =	sst s0;
	s0 =	simm.s32 @!p1 $0x0  }
0x14: {  	s2 =	sld [smem:$0x3F9C];
	s0 =	simm.s32 @p1 $0x1  }
0x15: {  	[smem:$0x3FB9] =	sst s0;
	s0 =	simm.s32 @!p2 $0x0  }
0x16: {  	s3 =	sld [smem:$0x3FDB];
	s0 =	simm.s32 @p2 $0x1  }
0x17: {  	s4 =	simm.s32 $0x1BF5;
	[smem:$0x3FBB] =	sst s0  }
0x18: {  	s0 =	sld [smem:$0x3F9E];
	_ =	swait.ge [sflag:s4], $0x0  }
0x19: {  	s7 =	sld [smem:$0x3F9F]  }
0x1a: {  	s8 =	sadd.s32 $0xFFFFE003, lr  }
0x1b: {  	s9 =	sadd.s32 $0xFFFFFEF7, lr;
	s5 =	simm.s32 $0xFFFFFFFF;
	p2 =	slt.u32 s8, $0xFFFFF086  }
0x1c: {  	p1 =	slt.u32 s9, $0xF7A;
	s5 =	simm.s32 @!p2 $0x0  }
0x1d: {  	s5 =	simm.s32 @p1 $0x1;
	p0 =	seq.s32 s7, s2  }
0x1e: {  	s7 =	smul.u32 @!p0 $0xF7A, s2;
	p2 =	seq.s32 @!p0 s5, $0x0  }
0x1f: {  	s9 =	smul.u32 $0xF7A, s1;
	s8 =	simm.s32 @!p0 $0x1BF5;
	p2 =	por !p2, p0  }
0x20: {  	[sflag:s8] =	ssyncset.s32 @!p0 $0xFFFFF086;
	s6 =	sadd.s32 @!p0 s3, s7;
	s7 =	simm.s32 @!p0 $0x108  }
0x21: {  	s3 =	sadd.s32 s3, s9;
	s6 =	sadd.s32 @!p0 $0x88, s6;
	s7 =	simm.s32 @p2 $0x1082  }
0x22: {  	[simem:s7], [sflag:s8] =	dma.local @!p0 [hbm:s6], $0xF7A  }
0x23: {  	s9 =	sor.u32 $0xD0000000, s2;
	s6 =	simm.s32 $0x108;
	_ =	swait.ge @!p0 [sflag:s8], $0x0  }
0x24: {  	s3 =	sadd.s32 $0x88, s3;
	s6 =	simm.s32 @!p1 $0x1082;
	[sflag:s4] =	ssyncset.s32 $0xFFFFF086  }
0x25: {  	[simem:s6], [sflag:s4] =	dma.local [hbm:s3], $0xF7A  }
0x26: {  	[smem:$0x3F9F] =	sst s1;
	(tag) =	ssettag s2;
	_ =	strace s9  }
0x27: {  	s1 =	sld [smem:$0x3FAF]  }
0x28: {  	s2 =	sld [smem:$0x3FB0]  }
0x29: {  	s4 =	sld [smem:$0x3FB2]  }
0x2a: {  	p0 =	seq.s32 s5, $0x0;
	s5 =	sld [smem:$0x3FB3]  }
0x2b: {  	s6 =	sld [smem:$0x3FB4]  }
0x2c: {  	s7 =	sld [smem:$0x3FB5]  }
0x2d: {  	s3 =	simm.s32 $0x108;
	s8 =	sld [smem:$0x3FB6]  }
0x2e: {  	s3 =	simm.s32 @!p0 $0x1082;
	s9 =	sld [smem:$0x3FB7]  }
0x2f: {  	lr =	sadd.s32 s0, s3;
	s0 =	sld [smem:$0x3FAE]  }
0x30: {  	s3 =	sld [smem:$0x3FB1]  }
0x31: {  	[smem:$0x3FBA] =	sst s10  }
0x32: {  	s10 =	sld [smem:$0x3FB8];
	_ =	sdelay $0x3  }
0x33: {  	p0 =	seq.s32 s10, $0x1;
	s10 =	sld [smem:$0x3FBA];
	_ =	sdelay $0x3  }
0x34: {  	[smem:$0x3FBA] =	sst s10  }
0x35: {  	s10 =	sld [smem:$0x3FB9];
	_ =	sdelay $0x3  }
0x36: {  	p1 =	seq.s32 s10, $0x1;
	s10 =	sld [smem:$0x3FBA];
	_ =	sdelay $0x3  }
0x37: {  	[smem:$0x3FBA] =	sst s10  }
0x38: {  	s10 =	sld [smem:$0x3FBB]  }
0x39: {  	_ = 	snop;
	(pc) =	sbr.ind lr, $3  }
0x3a: {  	_ = 	snop  }
0x3b: {  	_ = 	snop  }
0x3c: {  	p2 =	seq.s32 s10, $0x1;
	s10 =	sld [smem:$0x3FBA]  }
0x3d: {  	_ =	shalt  }
0x3e: {  	_ =	shalt  }
0x3f: {  	_ =	shalt  }
0x40: {  	_ =	shalt  }
0x41: {  	_ =	shalt  }
0x42: {  	_ =	shalt  }
0x43: {  	_ =	shalt  }
0x44: {  	_ =	shalt  }
0x45: {  	_ =	shalt  }
0x46: {  	_ =	shalt  }
0x47: {  	_ =	shalt  }
0x48: {  	_ =	shalt  }
0x49: {  	_ =	shalt  }
0x4a: {  	_ =	shalt  }
0x4b: {  	_ =	shalt  }
0x4c: {  	_ =	shalt  }
0x4d: {  	_ =	shalt  }
0x4e: {  	_ =	shalt  }
0x4f: {  	_ =	shalt  }
0x50: {  	_ =	shalt  }
0x51: {  	_ =	shalt  }
0x52: {  	_ =	shalt  }
0x53: {  	_ =	shalt  }
0x54: {  	_ =	shalt  }
0x55: {  	_ =	shalt  }
0x56: {  	_ =	shalt  }
0x57: {  	_ =	shalt  }
0x58: {  	_ =	shalt  }
0x59: {  	_ =	shalt  }
0x5a: {  	_ =	shalt  }
0x5b: {  	_ =	shalt  }
0x5c: {  	_ =	shalt  }
0x5d: {  	_ =	shalt  }
0x5e: {  	_ =	shalt  }
0x5f: {  	_ =	shalt  }
0x60: {  	_ =	shalt  }
0x61: {  	_ =	shalt  }
0x62: {  	_ =	shalt  }
0x63: {  	_ =	shalt  }
0x64: {  	_ =	shalt  }
0x65: {  	_ =	shalt  }
0x66: {  	_ =	shalt  }
0x67: {  	_ =	shalt  }
0x68: {  	_ =	shalt  }
0x69: {  	_ =	shalt  }
0x6a: {  	_ =	shalt  }
0x6b: {  	_ =	shalt  }
0x6c: {  	_ =	shalt  }
0x6d: {  	_ =	shalt  }
0x6e: {  	_ =	shalt  }
0x6f: {  	_ =	shalt  }
0x70: {  	_ =	shalt  }
0x71: {  	_ =	shalt  }
0x72: {  	_ =	shalt  }
0x73: {  	_ =	shalt  }
0x74: {  	_ =	shalt  }
0x75: {  	_ =	shalt  }
0x76: {  	_ =	shalt  }
0x77: {  	_ =	shalt  }
0x78: {  	_ =	shalt  }
0x79: {  	_ =	shalt  }
0x7a: {  	_ =	shalt  }
0x7b: {  	_ =	shalt  }
0x7c: {  	_ =	shalt  }
0x7d: {  	_ =	shalt  }
0x7e: {  	_ =	shalt  }
0x7f: {  	_ =	shalt  }
0x80: {  	_ =	shalt  }
0x81: {  	_ =	shalt  }
0x82: {  	_ =	shalt  }
0x83: {  	_ =	shalt  }
0x84: {  	_ =	shalt  }
0x85: {  	_ =	shalt  }
0x86: {  	_ =	shalt  }
0x87: {  	_ =	shalt  }
.Lfunc_end0:
.L_simem_size_0:
called_computation_lowered:
.L_overlay_start_0:
0x88: {  	s2 =	sld [smem:$0x3FD9]  }
0x89: {  	s3 =	sld [smem:$0x3FFE];
	_ =	sdelay $0x1  }
0x8a: {  	s1 =	srdreg.scid  }
0x8b: {  	s0 =	sand.u32 $0x1, s1  }
0x8c: {  	s18 =	sshll.u32 s0, $0xA;
	s2 =	sadd.s32 s3, s2  }
0x8d: {  	s2 =	sadd.s32 s2, s18  }
0x8e: {  	[smem:$0x3FC6] =	sst s2  }
0x8f: {  	_ = 	snop  }
0x90: {  	s2 =	sld [smem:$0x3FC9]  }
0x91: {  	s19 =	sld [smem:$0x3FC8]  }
0x92: {  	s4 =	sld [smem:$0x3FD0];
	(tm) =	ssettm $0x1  }
0x93: {  	s5 =	sld [smem:$0x3FFB];
	_ =	sdelay $0x3  }
0x94: {  	_ =	strace s5  }
0x95: {  	s5 =	sld [smem:$0x3FFC];
	_ =	sdelay $0x3  }
0x96: {  	_ =	strace s5  }
0x97: {  	s5 =	sld [smem:$0x3FFD];
	_ =	sdelay $0x3  }
0x98: {  	_ =	strace s5  }
0x99: {  	_ =	strace $0x8FFFFFFF  }
0x9a: {  	s20 =	sld [smem:$0x3FDB];
	_ =	sdelay $0x1  }
0x9b: {  	s6 =	simm.s32 $_scs_section_size  }
0x9c: {  	s7 =	simm.s32 $_size__tile_overlayer_lowered;
	s8 =	simm.s32 $_tile_overlayer_lowered  }
0x9d: {  	s23 =	simm.s32 $0x1BFF;
	s22 =	sshll.u32 s8, $0x1;
	s5 =	sadd.s32 s6, s20  }
0x9e: {  	s9 =	simm.s32 $0x0;
	s21 =	sshll.u32 s7, $0x1;
	s7 =	sadd.s32 s22, s5  }
0x9f: {  	[timem:s9], [sflag:s23] =	dma.local [hbm:s7], s21  }
0xa0: {  	_ =	swait.ge [sflag:s23], s21  }
0xa1: {  	s6 =	ssub.s32 $0x0, s21;
	[sflag:s23] =	ssyncset.done $0x0  }
0xa2: {  	[sflag:s23] =	ssyncadd.s32 s6;
	_ =	sdelay $0x1  }
0xa3: {  	s24 =	simm.s32 $0x1B8B  }
0xa4: {  	_ =	swait.ge [sflag:s24], $0x1  }
0xa5: {  	[sflag:s24] =	ssyncset.done $0x0  }
0xa6: {  	s25 =	simm.s32 $0x1B8E;
	[sflag:s24] =	ssyncadd.s32 $0xFFFFFFFF  }
0xa7: {  	s26 =	simm.s32 $execute0_lowered;
	[smem:$0x3FD2] =	sst s25  }
0xa8: {  	s6 =	sshll.u32 s26, $0x1;
	_ =	strace $0x80000046;
	[dreg:$0x1] =	wrdreg $0xFFFFFFFF  }
0xa9: {  	s28 =	simm.s32 $_size_execute0_lowered;
	s5 =	sadd.s32 s5, s6;
	[dreg:$0x0] =	wrdreg $0x0  }
0xaa: {  	s6 =	sshll.u32 s28, $0x1;
	[dreg:$0x2] =	wrdreg s5  }
0xab: {  	[dreg:$0x3] =	wrdreg s6  }
0xac: {  	[dreg:$0x4] =	wrdreg $0xC0  }
0xad: {  	_ =	task [dreg:s9], $0x5FFFF  }
0xae: {  	[dreg:$0x1] =	wrdreg $0xFFFFFFFF  }
0xaf: {  	[dreg:$0x0] =	wrdreg $0x60  }
0xb0: {  	[dreg:$0x2] =	wrdreg s2  }
0xb1: {  	[dreg:$0x3] =	wrdreg s19  }
0xb2: {  	[dreg:$0x4] =	wrdreg s4  }
0xb3: {  	[dreg:$0x5] =	wrdreg $0x9  }
0xb4: {  	_ =	task.clear_ibuf [dreg:s9], $0x6FFFF;
	_ =	strace $0x90000046  }
0xb5: {  	s29 =	simm.s32 $0x9;
	_ =	strace $0x80000048  }
0xb6: {  	_ =	swait.ge [sflag:s29], $0x1  }
0xb7: {  	[sflag:s29] =	ssyncadd.s32 $0xFFFFFFFF  }
0xb8: {  	_ =	strace $0x90000048  }
0xb9: {  	_ =	sfence  }
0xba: {  	s30 =	sld [smem:$0x0];
	_ =	sdelay $0x2  }
0xbb: {  	s31 =	sshll.u32 s1, $0xD;
	s1 =	sshrl.u32 s1, $0x2  }
0xbc: {  	s3 =	sand.u32 $0x4000, s31;
	s1 =	sadd.s32 s1, s30  }
0xbd: {  	s0 =	sor.u32 s3, s0;
	s1 =	sshll.u32 s1, $0x11  }
0xbe: {  	s0 =	sor.u32 s1, s0  }
0xbf: {  	s0 =	sadd.s32 $0x8F2B, s0  }
0xc0: {  	[sflag:s0] =	ssyncadd.remote.s32 $0x1  }
0xc1: {  	_ =	sfence.sel $0xFFFF  }
0xc2: {  	[dreg:$0x0] =	wrdreg $0xFFFFFFFF;
	(pc) =	sbr.abs _section_cstart, $3  }
0xc3: {  	[dreg:$0x1] =	wrdreg $0xFFFFFFFF  }
0xc4: {  	_ =	task.clear_ibuf [dreg:s9], $0x2FFFF;
	_ =	strace $0x9FFFFFFF  }
0xc5: {  	(tm) =	ssettm $0x7FFFFFFF  }
tec
execute0_lowered:
.L_overlay_start_1:
0x0: {  	(tag) =	ssettag $0x1  }
0x1: {  	s1 =	rddreg [dreg:$0x0]  }
0x2: {  	s9 =	rddreg [dreg:$0x1]  }
0x3: {  	s10 =	rddreg [dreg:$0x2]  }
0x4: {  	s0 =	rddreg [dreg:$0x3];
	s3 =	simm.s32 $0x0;
	s4 =	srdreg.scid  }
0x5: {  	s2 =	stileid.u32;
	s18 =	simm.s32 $0x3;
	s19 =	simm.s32 $0x2  }
0x6: {  	s20 =	simm.s32 $0x1C700;
	s21 =	simm.s32 $0x1D700;
	s22 =	simm.s32 $0x1  }
0x7: {  	s23 =	simm.s32 $0x0;
	[smem:$0x7FF] =	sst s3;
	s4 =	sand.u32 $0x1, s4  }
0x8: {  	s6 =	sshrl.u32 s2, $0x2;
	s5 =	sshll.u32 s2, $0x8;
	s13 =	sadd.s32 $0x1000, s10  }
0x9: {  	s15 =	sadd.s32 $0x2000, s10;
	s17 =	sadd.s32 $0x3000, s10;
	_ =	strace $0x80000047  }
0xa: {  	s7 =	sshll.u32 s4, $0x7;
	s5 =	sand.u32 $0x300, s5;
	s8 =	smul.u32 $0xC3800, s6  }
0xb: {  	s4 =	ssub.s32 $0x2, s4;
	s25 =	sshll.u32 s6, $0x11;
	s12 =	sor.u32 $0x4, s6  }
0xc: {  	s11 =	sor.u32 s7, s5;
	s26 =	sshrl.u32 s4, $0x1;
	s16 =	smul.u32 $0xC3800, s12  }
0xd: {  	s12 =	sshll.u32 s12, $0x11;
	s8 =	sor.u32 s8, s11;
	s5 =	sor.u32 s25, s11  }
0xe: {  	s14 =	ssub.s32 s4, s26;
	s28 =	sshrl.u32 s8, $0x3;
	s29 =	sshrl.u32 s5, $0x3  }
0xf: {  	s16 =	sor.u32 s11, s16;
	s11 =	sor.u32 s11, s12;
	s14 =	smax.u32 s14, $0x1  }
0x10: {  	s4 =	sadd.s32 s9, s28;
	s5 =	sadd.s32 s10, s29;
	s6 =	sadd.s32 s29, s13  }
0x11: {  	s7 =	sadd.s32 s29, s15;
	s8 =	sadd.s32 s29, s17;
	s30 =	sshrl.u32 s16, $0x3  }
0x12: {  	s31 =	sshrl.u32 s11, $0x3;
	s16 =	simm.s32 $0x400;
	s9 =	sadd.s32 s9, s30  }
0x13: {  	s10 =	sadd.s32 s10, s31;
	s11 =	sadd.s32 s31, s13;
	s12 =	sadd.s32 s31, s15  }
0x14: {  	s13 =	sadd.s32 s31, s17;
	s15 =	simm.s32 $0x80;
	s17 =	simm.s32 $0x4000  }
.LBB2_1:
0x15: {  	[tilespmem:s3], [sflag:$0x2] =	stream.linear.gather [hbm4b:s1+s3], $0x4000, $0x38;
	[tilespmem:$0x1E700] =	vst v63  }
0x16: {  	_ = 	snop  }
0x17: {  	[tilespmem:s17], [sflag:$0x3] =	stream.strided.gather [hbm4b:s4+s15], $0x18700, s16, s15, $0x38;
	[tilespmem:$0x1E700] =	vst v63  }
0x18: {  	_ =	swait.ge [sflag:s18], $0x18700  }
0x19: {  	[sflag:s18] =	ssyncset.done $0x0  }
0x1a: {  	[sflag:s18] =	ssyncadd.s32 $0xFFFE7900  }
0x1b: {  	_ =	swait.ge [sflag:s19], $0x4000  }
0x1c: {  	[sflag:s19] =	ssyncset.done $0x0  }
0x1d: {  	s24 =	simm.s32 $0x40;
	[sflag:s19] =	ssyncadd.s32 $0xFFFFC000  }
0x1e: {  	v0 =	vld [tilespmem:s24+$0x30]  }
0x1f: {  	v1 =	vld [tilespmem:s24+$0xFFFFFFD0]  }
0x20: {  	v2 =	vld [tilespmem:s24+$0xFFFFFFE0]  }
0x21: {  	v3 =	vld [tilespmem:s24+$0xFFFFFFF0]  }
0x22: {  	v4 =	vld [tilespmem:s24+$0x0]  }
0x23: {  	v6 =	vld [tilespmem:s24+$0x10]  }
0x24: {  	v7 =	vld [tilespmem:s24+$0x20]  }
0x25: {  	v8 =	vld [tilespmem:s24+$0xFFFFFFC0]  }
0x26: {  	v9 =	vld.idx.msk [tilespmem:v0+s17+$0x0], $0xffff  }
0x27: {  	v10 =	vld.idx.msk [tilespmem:v1+s17+$0x0], $0xffff  }
0x28: {  	v5 =	vld.idx.msk [tilespmem:v2+s17+$0x0], $0xffff  }
0x29: {  	v3 =	vld.idx.msk [tilespmem:v3+s17+$0x0], $0xffff  }
0x2a: {  	v0 =	vld.idx.msk [tilespmem:v4+s17+$0x0], $0xffff  }
0x2b: {  	s24 =	simm.s32 $0x1C740;
	v1 =	vld.idx.msk [tilespmem:v6+s17+$0x0], $0xffff  }
0x2c: {  	v2 =	vld.idx.msk [tilespmem:v7+s17+$0x0], $0xffff;
	[tilespmem:s24+$0x30] =	vst v9  }
0x2d: {  	s25 =	simm.s32 $0x0;
	s26 =	simm.s32 $0xC0;
	v4 =	vld.idx.msk [tilespmem:v8+s17+$0x0], $0xffff;
	[tilespmem:s24+$0xFFFFFFD0] =	vst v10  }
.LBB2_2:
0x2e: {  	v6 =	vld [tilespmem:s26+$0x30];
	s25 =	sadd.s32 $0x8, s25;
	[tilespmem:s24+$0xFFFFFFE0] =	vst v5  }
0x2f: {  	v5 =	vld [tilespmem:s26+$0xFFFFFFD0];
	p0 =	slt.u32 s25, $0xF8;
	[tilespmem:s24+$0xFFFFFFF0] =	vst v3  }
0x30: {  	v3 =	vld [tilespmem:s26+$0xFFFFFFE0];
	[tilespmem:s24+$0x0] =	vst v0  }
0x31: {  	v0 =	vld [tilespmem:s26+$0xFFFFFFF0];
	[tilespmem:s24+$0x10] =	vst v1  }
0x32: {  	v1 =	vld [tilespmem:s26+$0x0];
	[tilespmem:s24+$0x20] =	vst v2  }
0x33: {  	v2 =	vld [tilespmem:s26+$0x10];
	[tilespmem:s24+$0xFFFFFFC0] =	vst v4  }
0x34: {  	v4 =	vld [tilespmem:s26+$0x20]  }
0x35: {  	v7 =	vld [tilespmem:s26+$0xFFFFFFC0]  }
0x36: {  	v6 =	vld.idx.msk [tilespmem:v6+s17+$0x0], $0xffff  }
0x37: {  	v8 =	vld.idx.msk [tilespmem:v5+s17+$0x0], $0xffff  }
0x38: {  	v5 =	vld.idx.msk [tilespmem:v3+s17+$0x0], $0xffff  }
.Ltmp0:
0x39: {  	v3 =	vld.idx.msk [tilespmem:v0+s17+$0x0], $0xffff;
	(pc) =	sbr.rel @p0 .LBB2_2-.Ltmp0, $4  }
0x3a: {  	v0 =	vld.idx.msk [tilespmem:v1+s17+$0x0], $0xffff  }
0x3b: {  	s24 =	sadd.s32 $0x80, s24;
	v1 =	vld.idx.msk [tilespmem:v2+s17+$0x0], $0xffff  }
0x3c: {  	v2 =	vld.idx.msk [tilespmem:v4+s17+$0x0], $0xffff;
	[tilespmem:s24+$0x30] =	vst v6  }
0x3d: {  	s26 =	sadd.s32 $0x80, s26;
	v4 =	vld.idx.msk [tilespmem:v7+s17+$0x0], $0xffff;
	[tilespmem:s24+$0xFFFFFFD0] =	vst v8  }
0x3e: {  	[tilespmem:s24+$0xFFFFFFE0] =	vst v5  }
0x3f: {  	[tilespmem:s24+$0xFFFFFFF0] =	vst v3  }
0x40: {  	[tilespmem:s24+$0x0] =	vst v0  }
0x41: {  	[tilespmem:s24+$0x10] =	vst v1  }
0x42: {  	[tilespmem:s24+$0x20] =	vst v2  }
0x43: {  	s31 =	simm.s32 $0x1070;
	[tilespmem:s24+$0xFFFFFFC0] =	vst v4  }
0x44: {  	[hbm4b:s5+s15] =	stream.strided.scatter [tilespmem:s20], [sflag:$0x1], $0x1000, s16, s15, $0x38;
	[tilespmem:$0x1E700] =	vst v63  }
0x45: {  	v0 =	vld [tilespmem:s31+$0x0]  }
0x46: {  	v1 =	vld [tilespmem:s31+$0xFFFFFFA0]  }
0x47: {  	v2 =	vld [tilespmem:s31+$0xFFFFFFB0]  }
0x48: {  	v3 =	vld [tilespmem:s31+$0xFFFFFFC0]  }
0x49: {  	v4 =	vld [tilespmem:s31+$0xFFFFFFD0]  }
0x4a: {  	v6 =	vld [tilespmem:s31+$0xFFFFFFE0]  }
0x4b: {  	v7 =	vld [tilespmem:s31+$0xFFFFFFF0]  }
0x4c: {  	v8 =	vld [tilespmem:s31+$0xFFFFFF90]  }
0x4d: {  	v9 =	vld.idx.msk [tilespmem:v0+s17+$0x0], $0xffff  }
0x4e: {  	v10 =	vld.idx.msk [tilespmem:v1+s17+$0x0], $0xffff  }
0x4f: {  	v5 =	vld.idx.msk [tilespmem:v2+s17+$0x0], $0xffff  }
0x50: {  	v3 =	vld.idx.msk [tilespmem:v3+s17+$0x0], $0xffff  }
0x51: {  	v0 =	vld.idx.msk [tilespmem:v4+s17+$0x0], $0xffff  }
0x52: {  	s24 =	simm.s32 $0x1D770;
	v1 =	vld.idx.msk [tilespmem:v6+s17+$0x0], $0xffff  }
0x53: {  	v2 =	vld.idx.msk [tilespmem:v7+s17+$0x0], $0xffff;
	[tilespmem:s24+$0x0] =	vst v9  }
0x54: {  	s25 =	simm.s32 $0x0;
	s26 =	simm.s32 $0x10F0;
	v4 =	vld.idx.msk [tilespmem:v8+s17+$0x0], $0xffff;
	[tilespmem:s24+$0xFFFFFFA0] =	vst v10  }
.LBB2_4:
0x55: {  	v6 =	vld [tilespmem:s26+$0x0];
	s25 =	sadd.s32 $0x8, s25;
	[tilespmem:s24+$0xFFFFFFB0] =	vst v5  }
0x56: {  	v5 =	vld [tilespmem:s26+$0xFFFFFFA0];
	p0 =	slt.u32 s25, $0xF8;
	[tilespmem:s24+$0xFFFFFFC0] =	vst v3  }
0x57: {  	v3 =	vld [tilespmem:s26+$0xFFFFFFB0];
	[tilespmem:s24+$0xFFFFFFD0] =	vst v0  }
0x58: {  	v0 =	vld [tilespmem:s26+$0xFFFFFFC0];
	[tilespmem:s24+$0xFFFFFFE0] =	vst v1  }
0x59: {  	v1 =	vld [tilespmem:s26+$0xFFFFFFD0];
	[tilespmem:s24+$0xFFFFFFF0] =	vst v2  }
0x5a: {  	v2 =	vld [tilespmem:s26+$0xFFFFFFE0];
	[tilespmem:s24+$0xFFFFFF90] =	vst v4  }
0x5b: {  	v4 =	vld [tilespmem:s26+$0xFFFFFFF0]  }
0x5c: {  	v7 =	vld [tilespmem:s26+$0xFFFFFF90]  }
0x5d: {  	v6 =	vld.idx.msk [tilespmem:v6+s17+$0x0], $0xffff  }
0x5e: {  	v8 =	vld.idx.msk [tilespmem:v5+s17+$0x0], $0xffff  }
0x5f: {  	v5 =	vld.idx.msk [tilespmem:v3+s17+$0x0], $0xffff  }
.Ltmp1:
0x60: {  	v3 =	vld.idx.msk [tilespmem:v0+s17+$0x0], $0xffff;
	(pc) =	sbr.rel @p0 .LBB2_4-.Ltmp1, $4  }
0x61: {  	v0 =	vld.idx.msk [tilespmem:v1+s17+$0x0], $0xffff  }
0x62: {  	s24 =	sadd.s32 $0x80, s24;
	v1 =	vld.idx.msk [tilespmem:v2+s17+$0x0], $0xffff  }
0x63: {  	v2 =	vld.idx.msk [tilespmem:v4+s17+$0x0], $0xffff;
	[tilespmem:s24+$0x0] =	vst v6  }
0x64: {  	s26 =	sadd.s32 $0x80, s26;
	v4 =	vld.idx.msk [tilespmem:v7+s17+$0x0], $0xffff;
	[tilespmem:s24+$0xFFFFFFA0] =	vst v8  }
0x65: {  	[tilespmem:s24+$0xFFFFFFB0] =	vst v5  }
0x66: {  	[tilespmem:s24+$0xFFFFFFC0] =	vst v3  }
0x67: {  	[tilespmem:s24+$0xFFFFFFD0] =	vst v0  }
0x68: {  	[tilespmem:s24+$0xFFFFFFE0] =	vst v1  }
0x69: {  	[tilespmem:s24+$0xFFFFFFF0] =	vst v2  }
0x6a: {  	[tilespmem:s24+$0xFFFFFF90] =	vst v4  }
0x6b: {  	[hbm4b:s6+s15] =	stream.strided.scatter [tilespmem:s21], [sflag:$0x1], $0x1000, s16, s15, $0x38;
	[tilespmem:$0x1E700] =	vst v63  }
0x6c: {  	_ =	swait.ge [sflag:s22], $0x1000  }
0x6d: {  	[sflag:s22] =	ssyncset.done $0x0  }
0x6e: {  	s31 =	simm.s32 $0x2070;
	[sflag:s22] =	ssyncadd.s32 $0xFFFFF000  }
0x6f: {  	v0 =	vld [tilespmem:s31+$0x0]  }
0x70: {  	v1 =	vld [tilespmem:s31+$0xFFFFFFA0]  }
0x71: {  	v2 =	vld [tilespmem:s31+$0xFFFFFFB0]  }
0x72: {  	v3 =	vld [tilespmem:s31+$0xFFFFFFC0]  }
0x73: {  	v4 =	vld [tilespmem:s31+$0xFFFFFFD0]  }
0x74: {  	v6 =	vld [tilespmem:s31+$0xFFFFFFE0]  }
0x75: {  	v7 =	vld [tilespmem:s31+$0xFFFFFFF0]  }
0x76: {  	v8 =	vld [tilespmem:s31+$0xFFFFFF90]  }
0x77: {  	v9 =	vld.idx.msk [tilespmem:v0+s17+$0x0], $0xffff  }
0x78: {  	v10 =	vld.idx.msk [tilespmem:v1+s17+$0x0], $0xffff  }
0x79: {  	v5 =	vld.idx.msk [tilespmem:v2+s17+$0x0], $0xffff  }
0x7a: {  	v3 =	vld.idx.msk [tilespmem:v3+s17+$0x0], $0xffff  }
0x7b: {  	v0 =	vld.idx.msk [tilespmem:v4+s17+$0x0], $0xffff  }
0x7c: {  	s24 =	simm.s32 $0x1C740;
	v1 =	vld.idx.msk [tilespmem:v6+s17+$0x0], $0xffff  }
0x7d: {  	v2 =	vld.idx.msk [tilespmem:v7+s17+$0x0], $0xffff;
	[tilespmem:s24+$0x30] =	vst v9  }
0x7e: {  	s25 =	simm.s32 $0x0;
	s26 =	simm.s32 $0x20F0;
	v4 =	vld.idx.msk [tilespmem:v8+s17+$0x0], $0xffff;
	[tilespmem:s24+$0xFFFFFFD0] =	vst v10  }
.LBB2_6:
0x7f: {  	v6 =	vld [tilespmem:s26+$0x0];
	s25 =	sadd.s32 $0x8, s25;
	[tilespmem:s24+$0xFFFFFFE0] =	vst v5  }
0x80: {  	v5 =	vld [tilespmem:s26+$0xFFFFFFA0];
	p0 =	slt.u32 s25, $0xF8;
	[tilespmem:s24+$0xFFFFFFF0] =	vst v3  }
0x81: {  	v3 =	vld [tilespmem:s26+$0xFFFFFFB0];
	[tilespmem:s24+$0x0] =	vst v0  }
0x82: {  	v0 =	vld [tilespmem:s26+$0xFFFFFFC0];
	[tilespmem:s24+$0x10] =	vst v1  }
0x83: {  	v1 =	vld [tilespmem:s26+$0xFFFFFFD0];
	[tilespmem:s24+$0x20] =	vst v2  }
0x84: {  	v2 =	vld [tilespmem:s26+$0xFFFFFFE0];
	[tilespmem:s24+$0xFFFFFFC0] =	vst v4  }
0x85: {  	v4 =	vld [tilespmem:s26+$0xFFFFFFF0]  }
0x86: {  	v7 =	vld [tilespmem:s26+$0xFFFFFF90]  }
0x87: {  	v6 =	vld.idx.msk [tilespmem:v6+s17+$0x0], $0xffff  }
0x88: {  	v8 =	vld.idx.msk [tilespmem:v5+s17+$0x0], $0xffff  }
0x89: {  	v5 =	vld.idx.msk [tilespmem:v3+s17+$0x0], $0xffff  }
.Ltmp2:
0x8a: {  	v3 =	vld.idx.msk [tilespmem:v0+s17+$0x0], $0xffff;
	(pc) =	sbr.rel @p0 .LBB2_6-.Ltmp2, $4  }
0x8b: {  	v0 =	vld.idx.msk [tilespmem:v1+s17+$0x0], $0xffff  }
0x8c: {  	s24 =	sadd.s32 $0x80, s24;
	v1 =	vld.idx.msk [tilespmem:v2+s17+$0x0], $0xffff  }
0x8d: {  	v2 =	vld.idx.msk [tilespmem:v4+s17+$0x0], $0xffff;
	[tilespmem:s24+$0x30] =	vst v6  }
0x8e: {  	s26 =	sadd.s32 $0x80, s26;
	v4 =	vld.idx.msk [tilespmem:v7+s17+$0x0], $0xffff;
	[tilespmem:s24+$0xFFFFFFD0] =	vst v8  }
0x8f: {  	[tilespmem:s24+$0xFFFFFFE0] =	vst v5  }
0x90: {  	[tilespmem:s24+$0xFFFFFFF0] =	vst v3  }
0x91: {  	[tilespmem:s24+$0x0] =	vst v0  }
0x92: {  	[tilespmem:s24+$0x10] =	vst v1  }
0x93: {  	[tilespmem:s24+$0x20] =	vst v2  }
0x94: {  	[tilespmem:s24+$0xFFFFFFC0] =	vst v4  }
0x95: {  	[hbm4b:s7+s15] =	stream.strided.scatter [tilespmem:s20], [sflag:$0x1], $0x1000, s16, s15, $0x38;
	[tilespmem:$0x1E700] =	vst v63  }
0x96: {  	_ =	swait.ge [sflag:s22], $0x1000  }
0x97: {  	[sflag:s22] =	ssyncset.done $0x0  }
0x98: {  	s31 =	simm.s32 $0x3070;
	[sflag:s22] =	ssyncadd.s32 $0xFFFFF000  }
0x99: {  	v0 =	vld [tilespmem:s31+$0x0]  }
0x9a: {  	v1 =	vld [tilespmem:s31+$0xFFFFFFA0]  }
0x9b: {  	v2 =	vld [tilespmem:s31+$0xFFFFFFB0]  }
0x9c: {  	v3 =	vld [tilespmem:s31+$0xFFFFFFC0]  }
0x9d: {  	v4 =	vld [tilespmem:s31+$0xFFFFFFD0]  }
0x9e: {  	v6 =	vld [tilespmem:s31+$0xFFFFFFE0]  }
0x9f: {  	v7 =	vld [tilespmem:s31+$0xFFFFFFF0]  }
0xa0: {  	v8 =	vld [tilespmem:s31+$0xFFFFFF90]  }
0xa1: {  	v9 =	vld.idx.msk [tilespmem:v0+s17+$0x0], $0xffff  }
0xa2: {  	v10 =	vld.idx.msk [tilespmem:v1+s17+$0x0], $0xffff  }
0xa3: {  	v5 =	vld.idx.msk [tilespmem:v2+s17+$0x0], $0xffff  }
0xa4: {  	v3 =	vld.idx.msk [tilespmem:v3+s17+$0x0], $0xffff  }
0xa5: {  	v0 =	vld.idx.msk [tilespmem:v4+s17+$0x0], $0xffff  }
0xa6: {  	s24 =	simm.s32 $0x1D770;
	v1 =	vld.idx.msk [tilespmem:v6+s17+$0x0], $0xffff  }
0xa7: {  	v2 =	vld.idx.msk [tilespmem:v7+s17+$0x0], $0xffff;
	[tilespmem:s24+$0x0] =	vst v9  }
0xa8: {  	s25 =	simm.s32 $0x0;
	s26 =	simm.s32 $0x30F0;
	v4 =	vld.idx.msk [tilespmem:v8+s17+$0x0], $0xffff;
	[tilespmem:s24+$0xFFFFFFA0] =	vst v10  }
.LBB2_8:
0xa9: {  	v6 =	vld [tilespmem:s26+$0x0];
	s25 =	sadd.s32 $0x8, s25;
	[tilespmem:s24+$0xFFFFFFB0] =	vst v5  }
0xaa: {  	v5 =	vld [tilespmem:s26+$0xFFFFFFA0];
	p0 =	slt.u32 s25, $0xF8;
	[tilespmem:s24+$0xFFFFFFC0] =	vst v3  }
0xab: {  	v3 =	vld [tilespmem:s26+$0xFFFFFFB0];
	[tilespmem:s24+$0xFFFFFFD0] =	vst v0  }
0xac: {  	v0 =	vld [tilespmem:s26+$0xFFFFFFC0];
	[tilespmem:s24+$0xFFFFFFE0] =	vst v1  }
0xad: {  	v1 =	vld [tilespmem:s26+$0xFFFFFFD0];
	[tilespmem:s24+$0xFFFFFFF0] =	vst v2  }
0xae: {  	v2 =	vld [tilespmem:s26+$0xFFFFFFE0];
	[tilespmem:s24+$0xFFFFFF90] =	vst v4  }
0xaf: {  	v4 =	vld [tilespmem:s26+$0xFFFFFFF0]  }
0xb0: {  	v7 =	vld [tilespmem:s26+$0xFFFFFF90]  }
0xb1: {  	v6 =	vld.idx.msk [tilespmem:v6+s17+$0x0], $0xffff  }
0xb2: {  	v8 =	vld.idx.msk [tilespmem:v5+s17+$0x0], $0xffff  }
0xb3: {  	v5 =	vld.idx.msk [tilespmem:v3+s17+$0x0], $0xffff  }
.Ltmp3:
0xb4: {  	v3 =	vld.idx.msk [tilespmem:v0+s17+$0x0], $0xffff;
	(pc) =	sbr.rel @p0 .LBB2_8-.Ltmp3, $4  }
0xb5: {  	v0 =	vld.idx.msk [tilespmem:v1+s17+$0x0], $0xffff  }
0xb6: {  	s24 =	sadd.s32 $0x80, s24;
	v1 =	vld.idx.msk [tilespmem:v2+s17+$0x0], $0xffff  }
0xb7: {  	v2 =	vld.idx.msk [tilespmem:v4+s17+$0x0], $0xffff;
	[tilespmem:s24+$0x0] =	vst v6  }
0xb8: {  	s26 =	sadd.s32 $0x80, s26;
	v4 =	vld.idx.msk [tilespmem:v7+s17+$0x0], $0xffff;
	[tilespmem:s24+$0xFFFFFFA0] =	vst v8  }
0xb9: {  	[tilespmem:s24+$0xFFFFFFB0] =	vst v5  }
0xba: {  	[tilespmem:s24+$0xFFFFFFC0] =	vst v3  }
0xbb: {  	[tilespmem:s24+$0xFFFFFFD0] =	vst v0  }
0xbc: {  	[tilespmem:s24+$0xFFFFFFE0] =	vst v1  }
0xbd: {  	[tilespmem:s24+$0xFFFFFFF0] =	vst v2  }
0xbe: {  	[tilespmem:s24+$0xFFFFFF90] =	vst v4  }
0xbf: {  	[hbm4b:s8+s15] =	stream.strided.scatter [tilespmem:s21], [sflag:$0x1], $0x1000, s16, s15, $0x38;
	[tilespmem:$0x1E700] =	vst v63  }
0xc0: {  	_ = 	snop  }
0xc1: {  	[tilespmem:s17], [sflag:$0x3] =	stream.strided.gather [hbm4b:s9+s15], $0x18700, s16, s15, $0x38;
	[tilespmem:$0x1E700] =	vst v63  }
0xc2: {  	_ =	swait.ge [sflag:s18], $0x18700  }
0xc3: {  	[sflag:s18] =	ssyncset.done $0x0  }
0xc4: {  	[sflag:s18] =	ssyncadd.s32 $0xFFFE7900  }
0xc5: {  	_ =	swait.ge [sflag:s22], $0x1000  }
0xc6: {  	[sflag:s22] =	ssyncset.done $0x0  }
0xc7: {  	s31 =	simm.s32 $0x40;
	[sflag:s22] =	ssyncadd.s32 $0xFFFFF000  }
0xc8: {  	v0 =	vld [tilespmem:s31+$0x30]  }
0xc9: {  	v1 =	vld [tilespmem:s31+$0xFFFFFFD0]  }
0xca: {  	v2 =	vld [tilespmem:s31+$0xFFFFFFE0]  }
0xcb: {  	v3 =	vld [tilespmem:s31+$0xFFFFFFF0]  }
0xcc: {  	v4 =	vld [tilespmem:s31+$0x0]  }
0xcd: {  	v6 =	vld [tilespmem:s31+$0x10]  }
0xce: {  	v7 =	vld [tilespmem:s31+$0x20]  }
0xcf: {  	v8 =	vld [tilespmem:s31+$0xFFFFFFC0]  }
0xd0: {  	v9 =	vld.idx.msk [tilespmem:v0+s17+$0x0], $0xffff  }
0xd1: {  	v10 =	vld.idx.msk [tilespmem:v1+s17+$0x0], $0xffff  }
0xd2: {  	v5 =	vld.idx.msk [tilespmem:v2+s17+$0x0], $0xffff  }
0xd3: {  	v3 =	vld.idx.msk [tilespmem:v3+s17+$0x0], $0xffff  }
0xd4: {  	v0 =	vld.idx.msk [tilespmem:v4+s17+$0x0], $0xffff  }
0xd5: {  	s24 =	simm.s32 $0x1C740;
	v1 =	vld.idx.msk [tilespmem:v6+s17+$0x0], $0xffff  }
0xd6: {  	v2 =	vld.idx.msk [tilespmem:v7+s17+$0x0], $0xffff;
	[tilespmem:s24+$0x30] =	vst v9  }
0xd7: {  	s25 =	simm.s32 $0x0;
	s26 =	simm.s32 $0xC0;
	v4 =	vld.idx.msk [tilespmem:v8+s17+$0x0], $0xffff;
	[tilespmem:s24+$0xFFFFFFD0] =	vst v10  }
.LBB2_10:
0xd8: {  	v6 =	vld [tilespmem:s26+$0x30];
	s25 =	sadd.s32 $0x8, s25;
	[tilespmem:s24+$0xFFFFFFE0] =	vst v5  }
0xd9: {  	v5 =	vld [tilespmem:s26+$0xFFFFFFD0];
	p0 =	slt.u32 s25, $0xF8;
	[tilespmem:s24+$0xFFFFFFF0] =	vst v3  }
0xda: {  	v3 =	vld [tilespmem:s26+$0xFFFFFFE0];
	[tilespmem:s24+$0x0] =	vst v0  }
0xdb: {  	v0 =	vld [tilespmem:s26+$0xFFFFFFF0];
	[tilespmem:s24+$0x10] =	vst v1  }
0xdc: {  	v1 =	vld [tilespmem:s26+$0x0];
	[tilespmem:s24+$0x20] =	vst v2  }
0xdd: {  	v2 =	vld [tilespmem:s26+$0x10];
	[tilespmem:s24+$0xFFFFFFC0] =	vst v4  }
0xde: {  	v4 =	vld [tilespmem:s26+$0x20]  }
0xdf: {  	v7 =	vld [tilespmem:s26+$0xFFFFFFC0]  }
0xe0: {  	v6 =	vld.idx.msk [tilespmem:v6+s17+$0x0], $0xffff  }
0xe1: {  	v8 =	vld.idx.msk [tilespmem:v5+s17+$0x0], $0xffff  }
0xe2: {  	v5 =	vld.idx.msk [tilespmem:v3+s17+$0x0], $0xffff  }
.Ltmp4:
0xe3: {  	v3 =	vld.idx.msk [tilespmem:v0+s17+$0x0], $0xffff;
	(pc) =	sbr.rel @p0 .LBB2_10-.Ltmp4, $4  }
0xe4: {  	v0 =	vld.idx.msk [tilespmem:v1+s17+$0x0], $0xffff  }
0xe5: {  	s24 =	sadd.s32 $0x80, s24;
	v1 =	vld.idx.msk [tilespmem:v2+s17+$0x0], $0xffff  }
0xe6: {  	v2 =	vld.idx.msk [tilespmem:v4+s17+$0x0], $0xffff;
	[tilespmem:s24+$0x30] =	vst v6  }
0xe7: {  	s26 =	sadd.s32 $0x80, s26;
	v4 =	vld.idx.msk [tilespmem:v7+s17+$0x0], $0xffff;
	[tilespmem:s24+$0xFFFFFFD0] =	vst v8  }
0xe8: {  	[tilespmem:s24+$0xFFFFFFE0] =	vst v5  }
0xe9: {  	[tilespmem:s24+$0xFFFFFFF0] =	vst v3  }
0xea: {  	[tilespmem:s24+$0x0] =	vst v0  }
0xeb: {  	[tilespmem:s24+$0x10] =	vst v1  }
0xec: {  	[tilespmem:s24+$0x20] =	vst v2  }
0xed: {  	[tilespmem:s24+$0xFFFFFFC0] =	vst v4  }
0xee: {  	[hbm4b:s10+s15] =	stream.strided.scatter [tilespmem:s20], [sflag:$0x1], $0x1000, s16, s15, $0x38;
	[tilespmem:$0x1E700] =	vst v63  }
0xef: {  	_ =	swait.ge [sflag:s22], $0x1000  }
0xf0: {  	[sflag:s22] =	ssyncset.done $0x0  }
0xf1: {  	s31 =	simm.s32 $0x1070;
	[sflag:s22] =	ssyncadd.s32 $0xFFFFF000  }
0xf2: {  	v0 =	vld [tilespmem:s31+$0x0]  }
0xf3: {  	v1 =	vld [tilespmem:s31+$0xFFFFFFA0]  }
0xf4: {  	v2 =	vld [tilespmem:s31+$0xFFFFFFB0]  }
0xf5: {  	v3 =	vld [tilespmem:s31+$0xFFFFFFC0]  }
0xf6: {  	v4 =	vld [tilespmem:s31+$0xFFFFFFD0]  }
0xf7: {  	v6 =	vld [tilespmem:s31+$0xFFFFFFE0]  }
0xf8: {  	v7 =	vld [tilespmem:s31+$0xFFFFFFF0]  }
0xf9: {  	v8 =	vld [tilespmem:s31+$0xFFFFFF90]  }
0xfa: {  	v9 =	vld.idx.msk [tilespmem:v0+s17+$0x0], $0xffff  }
0xfb: {  	v10 =	vld.idx.msk [tilespmem:v1+s17+$0x0], $0xffff  }
0xfc: {  	v5 =	vld.idx.msk [tilespmem:v2+s17+$0x0], $0xffff  }
0xfd: {  	v3 =	vld.idx.msk [tilespmem:v3+s17+$0x0], $0xffff  }
0xfe: {  	v0 =	vld.idx.msk [tilespmem:v4+s17+$0x0], $0xffff  }
0xff: {  	s24 =	simm.s32 $0x1D770;
	v1 =	vld.idx.msk [tilespmem:v6+s17+$0x0], $0xffff  }
0x100: {  	v2 =	vld.idx.msk [tilespmem:v7+s17+$0x0], $0xffff;
	[tilespmem:s24+$0x0] =	vst v9  }
0x101: {  	s25 =	simm.s32 $0x0;
	s26 =	simm.s32 $0x10F0;
	v4 =	vld.idx.msk [tilespmem:v8+s17+$0x0], $0xffff;
	[tilespmem:s24+$0xFFFFFFA0] =	vst v10  }
.LBB2_12:
0x102: {  	v6 =	vld [tilespmem:s26+$0x0];
	s25 =	sadd.s32 $0x8, s25;
	[tilespmem:s24+$0xFFFFFFB0] =	vst v5  }
0x103: {  	v5 =	vld [tilespmem:s26+$0xFFFFFFA0];
	p0 =	slt.u32 s25, $0xF8;
	[tilespmem:s24+$0xFFFFFFC0] =	vst v3  }
0x104: {  	v3 =	vld [tilespmem:s26+$0xFFFFFFB0];
	[tilespmem:s24+$0xFFFFFFD0] =	vst v0  }
0x105: {  	v0 =	vld [tilespmem:s26+$0xFFFFFFC0];
	[tilespmem:s24+$0xFFFFFFE0] =	vst v1  }
0x106: {  	v1 =	vld [tilespmem:s26+$0xFFFFFFD0];
	[tilespmem:s24+$0xFFFFFFF0] =	vst v2  }
0x107: {  	v2 =	vld [tilespmem:s26+$0xFFFFFFE0];
	[tilespmem:s24+$0xFFFFFF90] =	vst v4  }
0x108: {  	v4 =	vld [tilespmem:s26+$0xFFFFFFF0]  }
0x109: {  	v7 =	vld [tilespmem:s26+$0xFFFFFF90]  }
0x10a: {  	v6 =	vld.idx.msk [tilespmem:v6+s17+$0x0], $0xffff  }
0x10b: {  	v8 =	vld.idx.msk [tilespmem:v5+s17+$0x0], $0xffff  }
0x10c: {  	v5 =	vld.idx.msk [tilespmem:v3+s17+$0x0], $0xffff  }
.Ltmp5:
0x10d: {  	v3 =	vld.idx.msk [tilespmem:v0+s17+$0x0], $0xffff;
	(pc) =	sbr.rel @p0 .LBB2_12-.Ltmp5, $4  }
0x10e: {  	v0 =	vld.idx.msk [tilespmem:v1+s17+$0x0], $0xffff  }
0x10f: {  	s24 =	sadd.s32 $0x80, s24;
	v1 =	vld.idx.msk [tilespmem:v2+s17+$0x0], $0xffff  }
0x110: {  	v2 =	vld.idx.msk [tilespmem:v4+s17+$0x0], $0xffff;
	[tilespmem:s24+$0x0] =	vst v6  }
0x111: {  	s26 =	sadd.s32 $0x80, s26;
	v4 =	vld.idx.msk [tilespmem:v7+s17+$0x0], $0xffff;
	[tilespmem:s24+$0xFFFFFFA0] =	vst v8  }
0x112: {  	[tilespmem:s24+$0xFFFFFFB0] =	vst v5  }
0x113: {  	[tilespmem:s24+$0xFFFFFFC0] =	vst v3  }
0x114: {  	[tilespmem:s24+$0xFFFFFFD0] =	vst v0  }
0x115: {  	[tilespmem:s24+$0xFFFFFFE0] =	vst v1  }
0x116: {  	[tilespmem:s24+$0xFFFFFFF0] =	vst v2  }
0x117: {  	[tilespmem:s24+$0xFFFFFF90] =	vst v4  }
0x118: {  	[hbm4b:s11+s15] =	stream.strided.scatter [tilespmem:s21], [sflag:$0x1], $0x1000, s16, s15, $0x38;
	[tilespmem:$0x1E700] =	vst v63  }
0x119: {  	_ =	swait.ge [sflag:s22], $0x1000  }
0x11a: {  	[sflag:s22] =	ssyncset.done $0x0  }
0x11b: {  	s31 =	simm.s32 $0x2070;
	[sflag:s22] =	ssyncadd.s32 $0xFFFFF000  }
0x11c: {  	v0 =	vld [tilespmem:s31+$0x0]  }
0x11d: {  	v1 =	vld [tilespmem:s31+$0xFFFFFFA0]  }
0x11e: {  	v2 =	vld [tilespmem:s31+$0xFFFFFFB0]  }
0x11f: {  	v3 =	vld [tilespmem:s31+$0xFFFFFFC0]  }
0x120: {  	v4 =	vld [tilespmem:s31+$0xFFFFFFD0]  }
0x121: {  	v6 =	vld [tilespmem:s31+$0xFFFFFFE0]  }
0x122: {  	v7 =	vld [tilespmem:s31+$0xFFFFFFF0]  }
0x123: {  	v8 =	vld [tilespmem:s31+$0xFFFFFF90]  }
0x124: {  	v9 =	vld.idx.msk [tilespmem:v0+s17+$0x0], $0xffff  }
0x125: {  	v10 =	vld.idx.msk [tilespmem:v1+s17+$0x0], $0xffff  }
0x126: {  	v5 =	vld.idx.msk [tilespmem:v2+s17+$0x0], $0xffff  }
0x127: {  	v3 =	vld.idx.msk [tilespmem:v3+s17+$0x0], $0xffff  }
0x128: {  	v0 =	vld.idx.msk [tilespmem:v4+s17+$0x0], $0xffff  }
0x129: {  	s24 =	simm.s32 $0x1C740;
	v1 =	vld.idx.msk [tilespmem:v6+s17+$0x0], $0xffff  }
0x12a: {  	v2 =	vld.idx.msk [tilespmem:v7+s17+$0x0], $0xffff;
	[tilespmem:s24+$0x30] =	vst v9  }
0x12b: {  	s25 =	simm.s32 $0x0;
	s26 =	simm.s32 $0x20F0;
	v4 =	vld.idx.msk [tilespmem:v8+s17+$0x0], $0xffff;
	[tilespmem:s24+$0xFFFFFFD0] =	vst v10  }
.LBB2_14:
0x12c: {  	v6 =	vld [tilespmem:s26+$0x0];
	s25 =	sadd.s32 $0x8, s25;
	[tilespmem:s24+$0xFFFFFFE0] =	vst v5  }
0x12d: {  	v5 =	vld [tilespmem:s26+$0xFFFFFFA0];
	p0 =	slt.u32 s25, $0xF8;
	[tilespmem:s24+$0xFFFFFFF0] =	vst v3  }
0x12e: {  	v3 =	vld [tilespmem:s26+$0xFFFFFFB0];
	[tilespmem:s24+$0x0] =	vst v0  }
0x12f: {  	v0 =	vld [tilespmem:s26+$0xFFFFFFC0];
	[tilespmem:s24+$0x10] =	vst v1  }
0x130: {  	v1 =	vld [tilespmem:s26+$0xFFFFFFD0];
	[tilespmem:s24+$0x20] =	vst v2  }
0x131: {  	v2 =	vld [tilespmem:s26+$0xFFFFFFE0];
	[tilespmem:s24+$0xFFFFFFC0] =	vst v4  }
0x132: {  	v4 =	vld [tilespmem:s26+$0xFFFFFFF0]  }
0x133: {  	v7 =	vld [tilespmem:s26+$0xFFFFFF90]  }
0x134: {  	v6 =	vld.idx.msk [tilespmem:v6+s17+$0x0], $0xffff  }
0x135: {  	v8 =	vld.idx.msk [tilespmem:v5+s17+$0x0], $0xffff  }
0x136: {  	v5 =	vld.idx.msk [tilespmem:v3+s17+$0x0], $0xffff  }
.Ltmp6:
0x137: {  	v3 =	vld.idx.msk [tilespmem:v0+s17+$0x0], $0xffff;
	(pc) =	sbr.rel @p0 .LBB2_14-.Ltmp6, $4  }
0x138: {  	v0 =	vld.idx.msk [tilespmem:v1+s17+$0x0], $0xffff  }
0x139: {  	s24 =	sadd.s32 $0x80, s24;
	v1 =	vld.idx.msk [tilespmem:v2+s17+$0x0], $0xffff  }
0x13a: {  	v2 =	vld.idx.msk [tilespmem:v4+s17+$0x0], $0xffff;
	[tilespmem:s24+$0x30] =	vst v6  }
0x13b: {  	s26 =	sadd.s32 $0x80, s26;
	v4 =	vld.idx.msk [tilespmem:v7+s17+$0x0], $0xffff;
	[tilespmem:s24+$0xFFFFFFD0] =	vst v8  }
0x13c: {  	[tilespmem:s24+$0xFFFFFFE0] =	vst v5  }
0x13d: {  	[tilespmem:s24+$0xFFFFFFF0] =	vst v3  }
0x13e: {  	[tilespmem:s24+$0x0] =	vst v0  }
0x13f: {  	[tilespmem:s24+$0x10] =	vst v1  }
0x140: {  	[tilespmem:s24+$0x20] =	vst v2  }
0x141: {  	[tilespmem:s24+$0xFFFFFFC0] =	vst v4  }
0x142: {  	[hbm4b:s12+s15] =	stream.strided.scatter [tilespmem:s20], [sflag:$0x1], $0x1000, s16, s15, $0x38;
	[tilespmem:$0x1E700] =	vst v63  }
0x143: {  	_ =	swait.ge [sflag:s22], $0x1000  }
0x144: {  	[sflag:s22] =	ssyncset.done $0x0  }
0x145: {  	s31 =	simm.s32 $0x3070;
	[sflag:s22] =	ssyncadd.s32 $0xFFFFF000  }
0x146: {  	v0 =	vld [tilespmem:s31+$0x0]  }
0x147: {  	v1 =	vld [tilespmem:s31+$0xFFFFFFA0]  }
0x148: {  	v2 =	vld [tilespmem:s31+$0xFFFFFFB0]  }
0x149: {  	v3 =	vld [tilespmem:s31+$0xFFFFFFC0]  }
0x14a: {  	v4 =	vld [tilespmem:s31+$0xFFFFFFD0]  }
0x14b: {  	v6 =	vld [tilespmem:s31+$0xFFFFFFE0]  }
0x14c: {  	v7 =	vld [tilespmem:s31+$0xFFFFFFF0]  }
0x14d: {  	v8 =	vld [tilespmem:s31+$0xFFFFFF90]  }
0x14e: {  	v9 =	vld.idx.msk [tilespmem:v0+s17+$0x0], $0xffff  }
0x14f: {  	v10 =	vld.idx.msk [tilespmem:v1+s17+$0x0], $0xffff  }
0x150: {  	v5 =	vld.idx.msk [tilespmem:v2+s17+$0x0], $0xffff  }
0x151: {  	v3 =	vld.idx.msk [tilespmem:v3+s17+$0x0], $0xffff  }
0x152: {  	v0 =	vld.idx.msk [tilespmem:v4+s17+$0x0], $0xffff  }
0x153: {  	s24 =	simm.s32 $0x1D770;
	v1 =	vld.idx.msk [tilespmem:v6+s17+$0x0], $0xffff  }
0x154: {  	v2 =	vld.idx.msk [tilespmem:v7+s17+$0x0], $0xffff;
	[tilespmem:s24+$0x0] =	vst v9  }
0x155: {  	s25 =	simm.s32 $0x0;
	s26 =	simm.s32 $0x30F0;
	v4 =	vld.idx.msk [tilespmem:v8+s17+$0x0], $0xffff;
	[tilespmem:s24+$0xFFFFFFA0] =	vst v10  }
.LBB2_16:
0x156: {  	v6 =	vld [tilespmem:s26+$0x0];
	s25 =	sadd.s32 $0x8, s25;
	[tilespmem:s24+$0xFFFFFFB0] =	vst v5  }
0x157: {  	v5 =	vld [tilespmem:s26+$0xFFFFFFA0];
	p0 =	slt.u32 s25, $0xF8;
	[tilespmem:s24+$0xFFFFFFC0] =	vst v3  }
0x158: {  	v3 =	vld [tilespmem:s26+$0xFFFFFFB0];
	[tilespmem:s24+$0xFFFFFFD0] =	vst v0  }
0x159: {  	v0 =	vld [tilespmem:s26+$0xFFFFFFC0];
	[tilespmem:s24+$0xFFFFFFE0] =	vst v1  }
0x15a: {  	v1 =	vld [tilespmem:s26+$0xFFFFFFD0];
	[tilespmem:s24+$0xFFFFFFF0] =	vst v2  }
0x15b: {  	v2 =	vld [tilespmem:s26+$0xFFFFFFE0];
	[tilespmem:s24+$0xFFFFFF90] =	vst v4  }
0x15c: {  	v4 =	vld [tilespmem:s26+$0xFFFFFFF0]  }
0x15d: {  	v7 =	vld [tilespmem:s26+$0xFFFFFF90]  }
0x15e: {  	v6 =	vld.idx.msk [tilespmem:v6+s17+$0x0], $0xffff  }
0x15f: {  	v8 =	vld.idx.msk [tilespmem:v5+s17+$0x0], $0xffff  }
0x160: {  	v5 =	vld.idx.msk [tilespmem:v3+s17+$0x0], $0xffff  }
.Ltmp7:
0x161: {  	v3 =	vld.idx.msk [tilespmem:v0+s17+$0x0], $0xffff;
	(pc) =	sbr.rel @p0 .LBB2_16-.Ltmp7, $4  }
0x162: {  	v0 =	vld.idx.msk [tilespmem:v1+s17+$0x0], $0xffff  }
0x163: {  	s24 =	sadd.s32 $0x80, s24;
	v1 =	vld.idx.msk [tilespmem:v2+s17+$0x0], $0xffff  }
0x164: {  	v2 =	vld.idx.msk [tilespmem:v4+s17+$0x0], $0xffff;
	[tilespmem:s24+$0x0] =	vst v6  }
0x165: {  	s26 =	sadd.s32 $0x80, s26;
	v4 =	vld.idx.msk [tilespmem:v7+s17+$0x0], $0xffff;
	[tilespmem:s24+$0xFFFFFFA0] =	vst v8  }
0x166: {  	[tilespmem:s24+$0xFFFFFFB0] =	vst v5  }
0x167: {  	[tilespmem:s24+$0xFFFFFFC0] =	vst v3  }
0x168: {  	[tilespmem:s24+$0xFFFFFFD0] =	vst v0  }
0x169: {  	[tilespmem:s24+$0xFFFFFFE0] =	vst v1  }
0x16a: {  	[tilespmem:s24+$0xFFFFFFF0] =	vst v2  }
0x16b: {  	s23 =	sadd.s32 $0x1, s23;
	[tilespmem:s24+$0xFFFFFF90] =	vst v4  }
0x16c: {  	[hbm4b:s13+s15] =	stream.strided.scatter [tilespmem:s21], [sflag:$0x1], $0x1000, s16, s15, $0x38;
	[tilespmem:$0x1E700] =	vst v63  }
0x16d: {  	p0 =	sne.s32 s23, s14;
	_ =	swait.ge [sflag:s22], $0x1000  }
.Ltmp8:
0x16e: {  	[sflag:s22] =	ssyncset.done $0x0;
	(pc) =	sbr.rel @p0 .LBB2_1-.Ltmp8, $4  }
0x16f: {  	[sflag:s22] =	ssyncadd.s32 $0xFFFFF000  }
0x170: {  	_ =	swait.ge [sflag:s22], $0x1000  }
0x171: {  	[sflag:s22] =	ssyncset.done $0x0  }
0x172: {  	[sflag:s22] =	ssyncadd.s32 $0xFFFFF000  }
0x173: {  	_ =	sfence.sel $0x180000  }
0x174: {  	[bflag:$0x0] =	sbarrier.arrive $0xFFFF  }
0x175: {  	p0 =	sne.s32 s2, $0x0;
	_ =	strace $0x90000047  }
0x176: {  	s0 =	sadd.s32 @!p0 $0x100000, s0;
	[bflag:$0x2] =	sbarrier.arrive $0xFFFF  }
0x177: {  	[sflag:s0] =	ssyncadd.tile.s32 @!p0 $0x1;
	_ =	shalt  }
.Lfunc_end2:
_tile_overlayer_lowered:
.L_overlay_start_2:
0x178: {  	(tag) =	ssettag $0x2  }
0x179: {  	s0 =	rddreg [dreg:$0x0];
	s2 =	stileid.u32  }
0x17a: {  	s1 =	rddreg [dreg:$0x1];
	p0 =	sne.s32 s2, $0x0  }
0x17b: {  	s3 =	rddreg [dreg:$0x2];
	[bflag:$0x3] =	sbarrier.arrive $0xFFFF;
	s2 =	simm.s32 @!p0 $0x1C03  }
0x17c: {  	[timem:s3], [sflag:s2] =	dma.local @!p0 [hbm:s0], s1  }
0x17d: {  	s0 =	simm.s32 @!p0 $0x3  }
0x17e: {  	_ =	swait.ge @!p0 [sflag:s0], s1  }
0x17f: {  	s1 =	ssub.s32 @!p0 $0x0, s1;
	[sflag:s0] =	ssyncset.done @!p0 $0x0  }
0x180: {  	[sflag:s0] =	ssyncadd.s32 @!p0 s1  }
0x181: {  	[bflag:$0x3] =	sbarrier.arrive $0xFFFF  }
0x182: {  	_ =	shalt  }

</sc_bundles>
